<compile_context>
chip_gen: v7x
topology: tpu7x:2x2x1
jax: 0.10.2.dev20260603
libtpu: 0.0.44.dev20260713+nightly
codegen_flags: <defaults>
</compile_context>

<pallas_src>
import functools

import jax
import jax.numpy as jnp
from jax import lax
from jax.experimental import pallas as pl
from jax.experimental.pallas import tpu as pltpu
from jax.experimental.pallas import tpu_sc as plsc

PROJ = 1000
DET = 513
IMG = 362
BSZ = 5
NROWS = IMG * IMG
NCOLS = DET * PROJ

NC = 2
NS = 16
NW = NC * NS
RPW = 4096
BANK = RPW * 8
K = 2048
GSUB = 128


def _sc_body(rows_hbm, cols_hbm, vals_hbm, table_hbm, blo_hbm, bhi_hbm,
             out_hbm, bounds_v, rows_v, cols_v, vals_v, gath_v, acc_v, sem):
    wid = lax.axis_index("s") * NC + lax.axis_index("c")
    iota = lax.iota(jnp.int32, 16)
    lane8 = jnp.bitwise_and(iota, 7)
    half = jnp.right_shift(iota, 3)
    laneoff = lane8 + half * BANK
    lanelt6 = lane8 < 6
    rowlo = wid * RPW
    rowhi = rowlo + RPW

    zero16 = jnp.zeros((16,), jnp.float32)

    def zbody(i, c):
        acc_v[pl.ds(i * 16, 16)] = zero16
        return c

    lax.fori_loop(0, 2 * BANK // 16, zbody, 0)

    pltpu.sync_copy(blo_hbm, bounds_v.at[pl.ds(0, NW)])
    pltpu.sync_copy(bhi_hbm, bounds_v.at[pl.ds(NW, NW)])

    myblo = bounds_v[pl.ds(wid, 16)][0]
    mybhi = bounds_v[pl.ds(NW + wid, 16)][0]

    def block_body(g, c):
        base = pl.multiple_of(g * K, 8)
        pltpu.sync_copy(rows_hbm.at[pl.ds(base, K)], rows_v)
        pltpu.sync_copy(cols_hbm.at[pl.ds(base, K)], cols_v)
        pltpu.sync_copy(vals_hbm.at[pl.ds(base, K)], vals_v)
        copies = []
        for j in range(K // GSUB):
            copies.append(pltpu.async_copy(
                table_hbm.at[cols_v.at[pl.ds(j * GSUB, GSUB)]],
                gath_v.at[pl.ds(j * GSUB, GSUB)],
                sem))
        for cp in copies:
            cp.wait()

        def pair_body(p, cc):
            eidx = half + p * 2
            rows_e = plsc.load_gather(rows_v, [eidx])
            vals_e = plsc.load_gather(vals_v, [eidx])
            g16 = plsc.load_gather(gath_v, [eidx, lane8])
            prod = g16 * vals_e
            sidx = (rows_e - rowlo) * 8 + laneoff
            m = jnp.logical_and(
                jnp.logical_and(rows_e >= rowlo, rows_e < rowhi), lanelt6)
            plsc.addupdate_scatter(acc_v, [sidx], prod, mask=m)
            return cc

        lax.fori_loop(0, K // 2, pair_body, 0)
        return c

    lax.fori_loop(myblo, mybhi, block_body, 0)

    sensoff = half * 8 + 5

    def merge_body(p, c):
        b16 = p * 16
        acc_v[pl.ds(b16, 16)] = acc_v[pl.ds(b16, 16)] + acc_v[pl.ds(BANK + b16, 16)]
        return c

    lax.fori_loop(0, BANK // 16, merge_body, 0)

    def div_body(p, c):
        b16 = p * 16
        v = acc_v[pl.ds(b16, 16)]
        s = plsc.load_gather(acc_v, [b16 + sensoff])
        acc_v[pl.ds(b16, 16)] = v / s
        return c

    lax.fori_loop(0, BANK // 16, div_body, 0)

    pltpu.sync_copy(acc_v.at[pl.ds(0, BANK)],
                    out_hbm.at[pl.ds(wid * BANK, BANK)])


_sc_call = functools.partial(
    pl.kernel,
    out_type=jax.ShapeDtypeStruct((NW * BANK,), jnp.float32),
    mesh=plsc.VectorSubcoreMesh(
        core_axis_name="c", subcore_axis_name="s",
        num_cores=NC, num_subcores=NS),
    scratch_types=[
        pltpu.VMEM((2 * NW + 32,), jnp.int32),
        pltpu.VMEM((K,), jnp.int32),
        pltpu.VMEM((K,), jnp.int32),
        pltpu.VMEM((K,), jnp.float32),
        pltpu.VMEM((K, 8), jnp.float32),
        pltpu.VMEM((2 * BANK,), jnp.float32),
        pltpu.SemaphoreType.DMA,
    ],
    compiler_params=pltpu.CompilerParams(
        needs_layout_passes=False, use_tc_tiling_on_sc=False),
)(_sc_body)


def kernel(filtered_sino, rows, cols, vals):
    flat = filtered_sino.reshape(BSZ, NCOLS)
    table = jnp.concatenate(
        [flat.T,
         jnp.ones((NCOLS, 1), jnp.float32),
         jnp.zeros((NCOLS, 2), jnp.float32)], axis=1)

    nnz = rows.shape[0]
    nnz_pad = ((nnz + K - 1) // K) * K
    pad = nnz_pad - nnz
    rows_p = jnp.concatenate(
        [rows, jnp.full((pad,), NROWS - 1, jnp.int32)])
    cols_p = jnp.concatenate([cols, jnp.zeros((pad,), jnp.int32)])
    vals_p = jnp.concatenate([vals, jnp.zeros((pad,), jnp.float32)])

    bound_rows = jnp.arange(NW + 1, dtype=jnp.int32) * RPW
    cut = jnp.searchsorted(rows_p, bound_rows, side="left").astype(jnp.int32)
    blo = cut[:NW] // K
    bhi = (cut[1:] + K - 1) // K

    out = _sc_call(rows_p, cols_p, vals_p, table, blo, bhi)
    res = out.reshape(NW * RPW, 8)[:NROWS, :BSZ]
    return res.T.reshape(BSZ, IMG, IMG, 1)

# --- scband reference (transcript-rebuilt; emitter-appended) ---
"""Pipeline reference for scband-back-projection-layer-15951508538156 (READ-ONLY COPY).

The authoritative reference and input builder live on the scoring server;
editing this copy changes nothing except your own understanding.
"""

import jax, jax.numpy as jnp
import numpy as np

PROJ = 1000
DET = 513
IMG = 362
BSZ = 5
NNZ = 4000000
NROWS = IMG * IMG
NCOLS = DET * PROJ


def setup_inputs(seed: int = 0) -> dict:
    key = jax.random.key(seed)
    k1, k2, k3, k4 = jax.random.split(key, 4)
    filtered_sino = jax.random.normal(k1, (BSZ, PROJ, DET, 1), dtype=jnp.float32)
    # COO sparse transposed projection matrix [NROWS, NCOLS].
    # Guarantee every row has at least one nonzero so the sensitivity image
    # (backprojection of ones) is strictly positive, as for a real CT system.
    base_rows = jnp.arange(NROWS, dtype=jnp.int32)
    extra_rows = jax.random.randint(k2, (NNZ - NROWS,), 0, NROWS, dtype=jnp.int32)
    rows = jnp.sort(jnp.concatenate([base_rows, extra_rows]))
    cols = jax.random.randint(k3, (NNZ,), 0, NCOLS, dtype=jnp.int32)
    vals = jax.random.uniform(k4, (NNZ,), dtype=jnp.float32)
    return {"filtered_sino": filtered_sino, "rows": rows, "cols": cols, "vals": vals}


def reference(filtered_sino, rows, cols, vals):
    # Sensitivity image: backprojection of an all-ones sinogram
    # == tr_proj_matrix @ ones == segment_sum of vals by row.
    sens = jax.ops.segment_sum(vals, rows, num_segments=NROWS)
    sens_image = sens.reshape(1, IMG, IMG, 1)

    # Per-batch backprojection: flatten sinogram to [DET*PROJ] (row-major,
    # same as tf.reshape), then sparse @ dense via gather + scatter-add.
    flat = filtered_sino.reshape(BSZ, DET * PROJ)

    def bp_one(f):
        return jax.ops.segment_sum(vals * f[cols], rows, num_segments=NROWS)

    backward = jax.vmap(bp_one)(flat)  # [BSZ, NROWS]
    rec = backward.reshape(BSZ, IMG, IMG, 1)
    return rec / sens_image

if __name__ == "__main__":
    import jax
    _d = setup_inputs()
    print(jax.jit(kernel)(*tuple(_d.values())))

</pallas_src>

<mosaic_0001>
#map = affine_map<(d0, d1) -> (0)>
#map1 = affine_map<(d0, d1) -> (0, 0)>
module attributes {stable_mosaic.version = 14 : i64} {
  func.func @_sc_body(%arg0: i32, %arg1: i32, %arg2: memref<4001792xi32, #tpu.memory_space<hbm>>, %arg3: memref<4001792xi32, #tpu.memory_space<hbm>>, %arg4: memref<4001792xf32, #tpu.memory_space<hbm>>, %arg5: memref<513000x8xf32, #tpu.memory_space<hbm>>, %arg6: memref<32xi32, #tpu.memory_space<hbm>>, %arg7: memref<32xi32, #tpu.memory_space<hbm>>, %arg8: memref<1048576xf32, #tpu.memory_space<hbm>>, %arg9: memref<96xi32, #tpu.memory_space<vmem>>, %arg10: memref<2048xi32, #tpu.memory_space<vmem>>, %arg11: memref<2048xi32, #tpu.memory_space<vmem>>, %arg12: memref<2048xf32, #tpu.memory_space<vmem>>, %arg13: memref<2048x8xf32, #tpu.memory_space<vmem>>, %arg14: memref<65536xf32, #tpu.memory_space<vmem>>, %arg15: memref<!tpu.dma_semaphore, #tpu.memory_space<semaphore_mem>>) attributes {dimension_semantics = [#tpu.dimension_semantics<core_parallel>, #tpu.dimension_semantics<subcore_parallel>], iteration_bounds = array<i64: 2, 16>, scalar_prefetch = 0 : i64, scratch_operands = 7 : i64, tpu.core_type = #tpu.core_type<sc_vector_subcore>, window_params = [{transform_indices = #map}, {transform_indices = #map}, {transform_indices = #map}, {transform_indices = #map1}, {transform_indices = #map}, {transform_indices = #map}, {transform_indices = #map}]} {
    %mul3A = arith.constant 2 : i32
    %mul3A_0 = arith.muli %arg1, %mul3A : i32
    %add3A = arith.addi %mul3A_0, %arg0 : i32
    %iota3A = tpu.iota {dimensions = array<i32: 0>} : vector<16xi32>
    %and3A = arith.constant 7 : i32
    %and3A_1 = vector.broadcast %and3A : i32 to vector<16xi32>
    %and3A_2 = arith.andi %iota3A, %and3A_1 : vector<16xi32>
    %shift_right_arithmetic3A = arith.constant 3 : i32
    %shift_right_arithmetic3A_3 = vector.broadcast %shift_right_arithmetic3A : i32 to vector<16xi32>
    %shift_right_arithmetic3A_4 = arith.shrsi %iota3A, %shift_right_arithmetic3A_3 : vector<16xi32>
    %mul3A_5 = arith.constant 32768 : i32
    %mul3A_6 = vector.broadcast %mul3A_5 : i32 to vector<16xi32>
    %mul3A_7 = arith.muli %shift_right_arithmetic3A_4, %mul3A_6 : vector<16xi32>
    %add3A_8 = arith.addi %and3A_2, %mul3A_7 : vector<16xi32>
    %lt3A = arith.constant 6 : i32
    %lt3A_9 = vector.broadcast %lt3A : i32 to vector<16xi32>
    %lt3A_10 = arith.cmpi slt, %and3A_2, %lt3A_9 : vector<16xi32>
    %mul3A_11 = arith.constant 4096 : i32
    %mul3A_12 = arith.muli %add3A, %mul3A_11 : i32
    %add3A_13 = arith.constant 4096 : i32
    %add3A_14 = arith.addi %mul3A_12, %add3A_13 : i32
    %broadcast_in_dim3A = arith.constant 0.000000e+00 : f32
    %broadcast_in_dim3A_15 = vector.broadcast %broadcast_in_dim3A : f32 to vector<16xf32>
    %scan3A = arith.constant 0 : i32
    %scan3A_16 = arith.constant 0 : i32
    %scan3A_17 = arith.constant 4096 : i32
    %scan3A_18 = arith.addi %scan3A_16, %scan3A_17 : i32
    %scan3A_19 = arith.constant 1 : i32
    scf.for %scan3A_56 = %scan3A_16 to %scan3A_18 step %scan3A_19  : i32 {
      %mul3A_57 = arith.constant 16 : i32
      %mul3A_58 = arith.muli %scan3A_56, %mul3A_57 : i32
      %swap3A = arith.index_cast %mul3A_58 : i32 to index
      %swap3A_59 = tpu.vector_load %arg14[%swap3A] {strides = array<i32>} : memref<65536xf32, #tpu.memory_space<vmem>>, vector<16xf32>,
      tpu.vector_store %arg14[%swap3A], %broadcast_in_dim3A_15 {strides = array<i32>} : memref<65536xf32, #tpu.memory_space<vmem>>, vector<16xf32>,
    }
    %scan3A_20 = arith.constant 4096 : i32
    "tpu.region"() ({
      %run_scoped3A = tpu.sem_alloc : memref<!tpu.dma_semaphore, #tpu.memory_space<semaphore_mem>>
      %dma_start3A = arith.constant 0 : i32
      %dma_start3A_56 = tpu.memref_slice %arg9[%dma_start3A] : memref<96xi32, #tpu.memory_space<vmem>> -> memref<32xi32, #tpu.memory_space<vmem>>
      %dma_start3A_57 = arith.constant 0 : i32
      %dma_start3A_58 = tpu.memref_slice %arg9[%dma_start3A_57] : memref<96xi32, #tpu.memory_space<vmem>> -> memref<32xi32, #tpu.memory_space<vmem>>
      tpu.enqueue_dma source(%arg6 : memref<32xi32, #tpu.memory_space<hbm>>) target(%dma_start3A_58 : memref<32xi32, #tpu.memory_space<vmem>>) target_semaphore(%run_scoped3A : memref<!tpu.dma_semaphore, #tpu.memory_space<semaphore_mem>>)
      %dma_wait3A = arith.constant 0 : i32
      %dma_wait3A_59 = tpu.memref_slice %arg9[%dma_wait3A] : memref<96xi32, #tpu.memory_space<vmem>> -> memref<32xi32, #tpu.memory_space<vmem>>
      %dma_wait3A_60 = arith.constant 0 : i32
      %dma_wait3A_61 = tpu.memref_slice %arg9[%dma_wait3A_60] : memref<96xi32, #tpu.memory_space<vmem>> -> memref<32xi32, #tpu.memory_space<vmem>>
      tpu.wait_dma2 semaphore(%run_scoped3A : memref<!tpu.dma_semaphore, #tpu.memory_space<semaphore_mem>>) src(%arg6 : memref<32xi32, #tpu.memory_space<hbm>>) dst(%dma_wait3A_61 : memref<32xi32, #tpu.memory_space<vmem>>)
      tpu.yield
    }) : () -> ()
    "tpu.region"() ({
      %run_scoped3A = tpu.sem_alloc : memref<!tpu.dma_semaphore, #tpu.memory_space<semaphore_mem>>
      %dma_start3A = arith.constant 32 : i32
      %dma_start3A_56 = tpu.memref_slice %arg9[%dma_start3A] : memref<96xi32, #tpu.memory_space<vmem>> -> memref<32xi32, #tpu.memory_space<vmem>>
      %dma_start3A_57 = arith.constant 32 : i32
      %dma_start3A_58 = tpu.memref_slice %arg9[%dma_start3A_57] : memref<96xi32, #tpu.memory_space<vmem>> -> memref<32xi32, #tpu.memory_space<vmem>>
      tpu.enqueue_dma source(%arg7 : memref<32xi32, #tpu.memory_space<hbm>>) target(%dma_start3A_58 : memref<32xi32, #tpu.memory_space<vmem>>) target_semaphore(%run_scoped3A : memref<!tpu.dma_semaphore, #tpu.memory_space<semaphore_mem>>)
      %dma_wait3A = arith.constant 32 : i32
      %dma_wait3A_59 = tpu.memref_slice %arg9[%dma_wait3A] : memref<96xi32, #tpu.memory_space<vmem>> -> memref<32xi32, #tpu.memory_space<vmem>>
      %dma_wait3A_60 = arith.constant 32 : i32
      %dma_wait3A_61 = tpu.memref_slice %arg9[%dma_wait3A_60] : memref<96xi32, #tpu.memory_space<vmem>> -> memref<32xi32, #tpu.memory_space<vmem>>
      tpu.wait_dma2 semaphore(%run_scoped3A : memref<!tpu.dma_semaphore, #tpu.memory_space<semaphore_mem>>) src(%arg7 : memref<32xi32, #tpu.memory_space<hbm>>) dst(%dma_wait3A_61 : memref<32xi32, #tpu.memory_space<vmem>>)
      tpu.yield
    }) : () -> ()
    %get3A = arith.index_cast %add3A : i32 to index
    %get3A_21 = tpu.vector_load %arg9[%get3A] {strides = array<i32>} : memref<96xi32, #tpu.memory_space<vmem>>, vector<16xi32>,
    %slice3A = vector.extract_strided_slice %get3A_21 {offsets = [0], sizes = [1], strides = [1]} : vector<16xi32> to vector<1xi32>
    %squeeze3A = vector.extract %slice3A[0] : i32 from vector<1xi32>
    %add3A_22 = arith.constant 32 : i32
    %add3A_23 = arith.addi %add3A_22, %add3A : i32
    %get3A_24 = arith.index_cast %add3A_23 : i32 to index
    %get3A_25 = tpu.vector_load %arg9[%get3A_24] {strides = array<i32>} : memref<96xi32, #tpu.memory_space<vmem>>, vector<16xi32>,
    %slice3A_26 = vector.extract_strided_slice %get3A_25 {offsets = [0], sizes = [1], strides = [1]} : vector<16xi32> to vector<1xi32>
    %squeeze3A_27 = vector.extract %slice3A_26[0] : i32 from vector<1xi32>
    %while3A = arith.constant 0 : i32
    %while3A_28 = arith.subi %squeeze3A_27, %squeeze3A : i32
    %while3A_29 = arith.addi %squeeze3A, %while3A_28 : i32
    %while3A_30 = arith.constant 1 : i32
    %while3A_31 = arith.divsi %while3A_28, %while3A_30 : i32
    %while3A_32 = arith.muli %while3A_31, %while3A_30 : i32
    %while3A_33 = arith.addi %squeeze3A, %while3A_32 : i32
    %while3A_34 = arith.constant 1 : i32
    scf.for %while3A_56 = %squeeze3A to %while3A_33 step %while3A_34  : i32 {
      %mul3A_57 = arith.constant 2048 : i32
      %mul3A_58 = arith.muli %while3A_56, %mul3A_57 : i32
      %multiple_of3A = tpu.assume_multiple %mul3A_58, 8 : i32
      "tpu.region"() ({
        %run_scoped3A = tpu.sem_alloc : memref<!tpu.dma_semaphore, #tpu.memory_space<semaphore_mem>>
        %dma_start3A_319 = tpu.memref_slice %arg2[%multiple_of3A] : memref<4001792xi32, #tpu.memory_space<hbm>> -> memref<2048xi32, #tpu.memory_space<hbm>>
        %dma_start3A_320 = tpu.memref_slice %arg2[%multiple_of3A] : memref<4001792xi32, #tpu.memory_space<hbm>> -> memref<2048xi32, #tpu.memory_space<hbm>>
        tpu.enqueue_dma source(%dma_start3A_320 : memref<2048xi32, #tpu.memory_space<hbm>>) target(%arg10 : memref<2048xi32, #tpu.memory_space<vmem>>) target_semaphore(%run_scoped3A : memref<!tpu.dma_semaphore, #tpu.memory_space<semaphore_mem>>)
        %dma_wait3A_321 = tpu.memref_slice %arg2[%multiple_of3A] : memref<4001792xi32, #tpu.memory_space<hbm>> -> memref<2048xi32, #tpu.memory_space<hbm>>
        %dma_wait3A_322 = tpu.memref_slice %arg2[%multiple_of3A] : memref<4001792xi32, #tpu.memory_space<hbm>> -> memref<2048xi32, #tpu.memory_space<hbm>>
        tpu.wait_dma2 semaphore(%run_scoped3A : memref<!tpu.dma_semaphore, #tpu.memory_space<semaphore_mem>>) src(%dma_wait3A_322 : memref<2048xi32, #tpu.memory_space<hbm>>) dst(%arg10 : memref<2048xi32, #tpu.memory_space<vmem>>)
        tpu.yield
      }) : () -> ()
      "tpu.region"() ({
        %run_scoped3A = tpu.sem_alloc : memref<!tpu.dma_semaphore, #tpu.memory_space<semaphore_mem>>
        %dma_start3A_319 = tpu.memref_slice %arg3[%multiple_of3A] : memref<4001792xi32, #tpu.memory_space<hbm>> -> memref<2048xi32, #tpu.memory_space<hbm>>
        %dma_start3A_320 = tpu.memref_slice %arg3[%multiple_of3A] : memref<4001792xi32, #tpu.memory_space<hbm>> -> memref<2048xi32, #tpu.memory_space<hbm>>
        tpu.enqueue_dma source(%dma_start3A_320 : memref<2048xi32, #tpu.memory_space<hbm>>) target(%arg11 : memref<2048xi32, #tpu.memory_space<vmem>>) target_semaphore(%run_scoped3A : memref<!tpu.dma_semaphore, #tpu.memory_space<semaphore_mem>>)
        %dma_wait3A_321 = tpu.memref_slice %arg3[%multiple_of3A] : memref<4001792xi32, #tpu.memory_space<hbm>> -> memref<2048xi32, #tpu.memory_space<hbm>>
        %dma_wait3A_322 = tpu.memref_slice %arg3[%multiple_of3A] : memref<4001792xi32, #tpu.memory_space<hbm>> -> memref<2048xi32, #tpu.memory_space<hbm>>
        tpu.wait_dma2 semaphore(%run_scoped3A : memref<!tpu.dma_semaphore, #tpu.memory_space<semaphore_mem>>) src(%dma_wait3A_322 : memref<2048xi32, #tpu.memory_space<hbm>>) dst(%arg11 : memref<2048xi32, #tpu.memory_space<vmem>>)
        tpu.yield
      }) : () -> ()
      "tpu.region"() ({
        %run_scoped3A = tpu.sem_alloc : memref<!tpu.dma_semaphore, #tpu.memory_space<semaphore_mem>>
        %dma_start3A_319 = tpu.memref_slice %arg4[%multiple_of3A] : memref<4001792xf32, #tpu.memory_space<hbm>> -> memref<2048xf32, #tpu.memory_space<hbm>>
        %dma_start3A_320 = tpu.memref_slice %arg4[%multiple_of3A] : memref<4001792xf32, #tpu.memory_space<hbm>> -> memref<2048xf32, #tpu.memory_space<hbm>>
        tpu.enqueue_dma source(%dma_start3A_320 : memref<2048xf32, #tpu.memory_space<hbm>>) target(%arg12 : memref<2048xf32, #tpu.memory_space<vmem>>) target_semaphore(%run_scoped3A : memref<!tpu.dma_semaphore, #tpu.memory_space<semaphore_mem>>)
        %dma_wait3A_321 = tpu.memref_slice %arg4[%multiple_of3A] : memref<4001792xf32, #tpu.memory_space<hbm>> -> memref<2048xf32, #tpu.memory_space<hbm>>
        %dma_wait3A_322 = tpu.memref_slice %arg4[%multiple_of3A] : memref<4001792xf32, #tpu.memory_space<hbm>> -> memref<2048xf32, #tpu.memory_space<hbm>>
        tpu.wait_dma2 semaphore(%run_scoped3A : memref<!tpu.dma_semaphore, #tpu.memory_space<semaphore_mem>>) src(%dma_wait3A_322 : memref<2048xf32, #tpu.memory_space<hbm>>) dst(%arg12 : memref<2048xf32, #tpu.memory_space<vmem>>)
        tpu.yield
      }) : () -> ()
      %dma_start3A = arith.constant 0 : i32
      %dma_start3A_59 = arith.constant 0 : i32
      %dma_start3A_60 = tpu.memref_slice %arg13[%dma_start3A, %dma_start3A_59] : memref<2048x8xf32, #tpu.memory_space<vmem>> -> memref<128x8xf32, #tpu.memory_space<vmem>>
      %dma_start3A_61 = arith.constant 0 : i32
      %dma_start3A_62 = tpu.memref_slice %arg11[%dma_start3A_61] : memref<2048xi32, #tpu.memory_space<vmem>> -> memref<128xi32, #tpu.memory_space<vmem>>
      %dma_start3A_63 = arith.constant 0 : i32
      %dma_start3A_64 = arith.constant 0 : i32
      %dma_start3A_65 = tpu.memref_slice %arg5[%dma_start3A_63, %dma_start3A_64] : memref<513000x8xf32, #tpu.memory_space<hbm>> -> memref<513000x8xf32, #tpu.memory_space<hbm>>
      tpu.enqueue_indirect_dma source(%dma_start3A_65 : memref<513000x8xf32, #tpu.memory_space<hbm>>) target(%dma_start3A_60 : memref<128x8xf32, #tpu.memory_space<vmem>>) offsets(%dma_start3A_62 : memref<128xi32, #tpu.memory_space<vmem>>) semaphore(%arg15 : memref<!tpu.dma_semaphore, #tpu.memory_space<semaphore_mem>>)
      %dma_start3A_66 = arith.constant 128 : i32
      %dma_start3A_67 = arith.constant 0 : i32
      %dma_start3A_68 = tpu.memref_slice %arg13[%dma_start3A_66, %dma_start3A_67] : memref<2048x8xf32, #tpu.memory_space<vmem>> -> memref<128x8xf32, #tpu.memory_space<vmem>>
      %dma_start3A_69 = arith.constant 128 : i32
      %dma_start3A_70 = tpu.memref_slice %arg11[%dma_start3A_69] : memref<2048xi32, #tpu.memory_space<vmem>> -> memref<128xi32, #tpu.memory_space<vmem>>
      %dma_start3A_71 = arith.constant 0 : i32
      %dma_start3A_72 = arith.constant 0 : i32
      %dma_start3A_73 = tpu.memref_slice %arg5[%dma_start3A_71, %dma_start3A_72] : memref<513000x8xf32, #tpu.memory_space<hbm>> -> memref<513000x8xf32, #tpu.memory_space<hbm>>
      tpu.enqueue_indirect_dma source(%dma_start3A_73 : memref<513000x8xf32, #tpu.memory_space<hbm>>) target(%dma_start3A_68 : memref<128x8xf32, #tpu.memory_space<vmem>>) offsets(%dma_start3A_70 : memref<128xi32, #tpu.memory_space<vmem>>) semaphore(%arg15 : memref<!tpu.dma_semaphore, #tpu.memory_space<semaphore_mem>>)
      %dma_start3A_74 = arith.constant 256 : i32
      %dma_start3A_75 = arith.constant 0 : i32
      %dma_start3A_76 = tpu.memref_slice %arg13[%dma_start3A_74, %dma_start3A_75] : memref<2048x8xf32, #tpu.memory_space<vmem>> -> memref<128x8xf32, #tpu.memory_space<vmem>>
      %dma_start3A_77 = arith.constant 256 : i32
      %dma_start3A_78 = tpu.memref_slice %arg11[%dma_start3A_77] : memref<2048xi32, #tpu.memory_space<vmem>> -> memref<128xi32, #tpu.memory_space<vmem>>
      %dma_start3A_79 = arith.constant 0 : i32
      %dma_start3A_80 = arith.constant 0 : i32
      %dma_start3A_81 = tpu.memref_slice %arg5[%dma_start3A_79, %dma_start3A_80] : memref<513000x8xf32, #tpu.memory_space<hbm>> -> memref<513000x8xf32, #tpu.memory_space<hbm>>
      tpu.enqueue_indirect_dma source(%dma_start3A_81 : memref<513000x8xf32, #tpu.memory_space<hbm>>) target(%dma_start3A_76 : memref<128x8xf32, #tpu.memory_space<vmem>>) offsets(%dma_start3A_78 : memref<128xi32, #tpu.memory_space<vmem>>) semaphore(%arg15 : memref<!tpu.dma_semaphore, #tpu.memory_space<semaphore_mem>>)
      %dma_start3A_82 = arith.constant 384 : i32
      %dma_start3A_83 = arith.constant 0 : i32
      %dma_start3A_84 = tpu.memref_slice %arg13[%dma_start3A_82, %dma_start3A_83] : memref<2048x8xf32, #tpu.memory_space<vmem>> -> memref<128x8xf32, #tpu.memory_space<vmem>>
      %dma_start3A_85 = arith.constant 384 : i32
      %dma_start3A_86 = tpu.memref_slice %arg11[%dma_start3A_85] : memref<2048xi32, #tpu.memory_space<vmem>> -> memref<128xi32, #tpu.memory_space<vmem>>
      %dma_start3A_87 = arith.constant 0 : i32
      %dma_start3A_88 = arith.constant 0 : i32
      %dma_start3A_89 = tpu.memref_slice %arg5[%dma_start3A_87, %dma_start3A_88] : memref<513000x8xf32, #tpu.memory_space<hbm>> -> memref<513000x8xf32, #tpu.memory_space<hbm>>
      tpu.enqueue_indirect_dma source(%dma_start3A_89 : memref<513000x8xf32, #tpu.memory_space<hbm>>) target(%dma_start3A_84 : memref<128x8xf32, #tpu.memory_space<vmem>>) offsets(%dma_start3A_86 : memref<128xi32, #tpu.memory_space<vmem>>) semaphore(%arg15 : memref<!tpu.dma_semaphore, #tpu.memory_space<semaphore_mem>>)
      %dma_start3A_90 = arith.constant 512 : i32
      %dma_start3A_91 = arith.constant 0 : i32
      %dma_start3A_92 = tpu.memref_slice %arg13[%dma_start3A_90, %dma_start3A_91] : memref<2048x8xf32, #tpu.memory_space<vmem>> -> memref<128x8xf32, #tpu.memory_space<vmem>>
      %dma_start3A_93 = arith.constant 512 : i32
      %dma_start3A_94 = tpu.memref_slice %arg11[%dma_start3A_93] : memref<2048xi32, #tpu.memory_space<vmem>> -> memref<128xi32, #tpu.memory_space<vmem>>
      %dma_start3A_95 = arith.constant 0 : i32
      %dma_start3A_96 = arith.constant 0 : i32
      %dma_start3A_97 = tpu.memref_slice %arg5[%dma_start3A_95, %dma_start3A_96] : memref<513000x8xf32, #tpu.memory_space<hbm>> -> memref<513000x8xf32, #tpu.memory_space<hbm>>
      tpu.enqueue_indirect_dma source(%dma_start3A_97 : memref<513000x8xf32, #tpu.memory_space<hbm>>) target(%dma_start3A_92 : memref<128x8xf32, #tpu.memory_space<vmem>>) offsets(%dma_start3A_94 : memref<128xi32, #tpu.memory_space<vmem>>) semaphore(%arg15 : memref<!tpu.dma_semaphore, #tpu.memory_space<semaphore_mem>>)
      %dma_start3A_98 = arith.constant 640 : i32
      %dma_start3A_99 = arith.constant 0 : i32
      %dma_start3A_100 = tpu.memref_slice %arg13[%dma_start3A_98, %dma_start3A_99] : memref<2048x8xf32, #tpu.memory_space<vmem>> -> memref<128x8xf32, #tpu.memory_space<vmem>>
      %dma_start3A_101 = arith.constant 640 : i32
      %dma_start3A_102 = tpu.memref_slice %arg11[%dma_start3A_101] : memref<2048xi32, #tpu.memory_space<vmem>> -> memref<128xi32, #tpu.memory_space<vmem>>
      %dma_start3A_103 = arith.constant 0 : i32
      %dma_start3A_104 = arith.constant 0 : i32
      %dma_start3A_105 = tpu.memref_slice %arg5[%dma_start3A_103, %dma_start3A_104] : memref<513000x8xf32, #tpu.memory_space<hbm>> -> memref<513000x8xf32, #tpu.memory_space<hbm>>
      tpu.enqueue_indirect_dma source(%dma_start3A_105 : memref<513000x8xf32, #tpu.memory_space<hbm>>) target(%dma_start3A_100 : memref<128x8xf32, #tpu.memory_space<vmem>>) offsets(%dma_start3A_102 : memref<128xi32, #tpu.memory_space<vmem>>) semaphore(%arg15 : memref<!tpu.dma_semaphore, #tpu.memory_space<semaphore_mem>>)
      %dma_start3A_106 = arith.constant 768 : i32
      %dma_start3A_107 = arith.constant 0 : i32
      %dma_start3A_108 = tpu.memref_slice %arg13[%dma_start3A_106, %dma_start3A_107] : memref<2048x8xf32, #tpu.memory_space<vmem>> -> memref<128x8xf32, #tpu.memory_space<vmem>>
      %dma_start3A_109 = arith.constant 768 : i32
      %dma_start3A_110 = tpu.memref_slice %arg11[%dma_start3A_109] : memref<2048xi32, #tpu.memory_space<vmem>> -> memref<128xi32, #tpu.memory_space<vmem>>
      %dma_start3A_111 = arith.constant 0 : i32
      %dma_start3A_112 = arith.constant 0 : i32
      %dma_start3A_113 = tpu.memref_slice %arg5[%dma_start3A_111, %dma_start3A_112] : memref<513000x8xf32, #tpu.memory_space<hbm>> -> memref<513000x8xf32, #tpu.memory_space<hbm>>
      tpu.enqueue_indirect_dma source(%dma_start3A_113 : memref<513000x8xf32, #tpu.memory_space<hbm>>) target(%dma_start3A_108 : memref<128x8xf32, #tpu.memory_space<vmem>>) offsets(%dma_start3A_110 : memref<128xi32, #tpu.memory_space<vmem>>) semaphore(%arg15 : memref<!tpu.dma_semaphore, #tpu.memory_space<semaphore_mem>>)
      %dma_start3A_114 = arith.constant 896 : i32
      %dma_start3A_115 = arith.constant 0 : i32
      %dma_start3A_116 = tpu.memref_slice %arg13[%dma_start3A_114, %dma_start3A_115] : memref<2048x8xf32, #tpu.memory_space<vmem>> -> memref<128x8xf32, #tpu.memory_space<vmem>>
      %dma_start3A_117 = arith.constant 896 : i32
      %dma_start3A_118 = tpu.memref_slice %arg11[%dma_start3A_117] : memref<2048xi32, #tpu.memory_space<vmem>> -> memref<128xi32, #tpu.memory_space<vmem>>
      %dma_start3A_119 = arith.constant 0 : i32
      %dma_start3A_120 = arith.constant 0 : i32
      %dma_start3A_121 = tpu.memref_slice %arg5[%dma_start3A_119, %dma_start3A_120] : memref<513000x8xf32, #tpu.memory_space<hbm>> -> memref<513000x8xf32, #tpu.memory_space<hbm>>
      tpu.enqueue_indirect_dma source(%dma_start3A_121 : memref<513000x8xf32, #tpu.memory_space<hbm>>) target(%dma_start3A_116 : memref<128x8xf32, #tpu.memory_space<vmem>>) offsets(%dma_start3A_118 : memref<128xi32, #tpu.memory_space<vmem>>) semaphore(%arg15 : memref<!tpu.dma_semaphore, #tpu.memory_space<semaphore_mem>>)
      %dma_start3A_122 = arith.constant 1024 : i32
      %dma_start3A_123 = arith.constant 0 : i32
      %dma_start3A_124 = tpu.memref_slice %arg13[%dma_start3A_122, %dma_start3A_123] : memref<2048x8xf32, #tpu.memory_space<vmem>> -> memref<128x8xf32, #tpu.memory_space<vmem>>
      %dma_start3A_125 = arith.constant 1024 : i32
      %dma_start3A_126 = tpu.memref_slice %arg11[%dma_start3A_125] : memref<2048xi32, #tpu.memory_space<vmem>> -> memref<128xi32, #tpu.memory_space<vmem>>
      %dma_start3A_127 = arith.constant 0 : i32
      %dma_start3A_128 = arith.constant 0 : i32
      %dma_start3A_129 = tpu.memref_slice %arg5[%dma_start3A_127, %dma_start3A_128] : memref<513000x8xf32, #tpu.memory_space<hbm>> -> memref<513000x8xf32, #tpu.memory_space<hbm>>
      tpu.enqueue_indirect_dma source(%dma_start3A_129 : memref<513000x8xf32, #tpu.memory_space<hbm>>) target(%dma_start3A_124 : memref<128x8xf32, #tpu.memory_space<vmem>>) offsets(%dma_start3A_126 : memref<128xi32, #tpu.memory_space<vmem>>) semaphore(%arg15 : memref<!tpu.dma_semaphore, #tpu.memory_space<semaphore_mem>>)
      %dma_start3A_130 = arith.constant 1152 : i32
      %dma_start3A_131 = arith.constant 0 : i32
      %dma_start3A_132 = tpu.memref_slice %arg13[%dma_start3A_130, %dma_start3A_131] : memref<2048x8xf32, #tpu.memory_space<vmem>> -> memref<128x8xf32, #tpu.memory_space<vmem>>
      %dma_start3A_133 = arith.constant 1152 : i32
      %dma_start3A_134 = tpu.memref_slice %arg11[%dma_start3A_133] : memref<2048xi32, #tpu.memory_space<vmem>> -> memref<128xi32, #tpu.memory_space<vmem>>
      %dma_start3A_135 = arith.constant 0 : i32
      %dma_start3A_136 = arith.constant 0 : i32
      %dma_start3A_137 = tpu.memref_slice %arg5[%dma_start3A_135, %dma_start3A_136] : memref<513000x8xf32, #tpu.memory_space<hbm>> -> memref<513000x8xf32, #tpu.memory_space<hbm>>
      tpu.enqueue_indirect_dma source(%dma_start3A_137 : memref<513000x8xf32, #tpu.memory_space<hbm>>) target(%dma_start3A_132 : memref<128x8xf32, #tpu.memory_space<vmem>>) offsets(%dma_start3A_134 : memref<128xi32, #tpu.memory_space<vmem>>) semaphore(%arg15 : memref<!tpu.dma_semaphore, #tpu.memory_space<semaphore_mem>>)
      %dma_start3A_138 = arith.constant 1280 : i32
      %dma_start3A_139 = arith.constant 0 : i32
      %dma_start3A_140 = tpu.memref_slice %arg13[%dma_start3A_138, %dma_start3A_139] : memref<2048x8xf32, #tpu.memory_space<vmem>> -> memref<128x8xf32, #tpu.memory_space<vmem>>
      %dma_start3A_141 = arith.constant 1280 : i32
      %dma_start3A_142 = tpu.memref_slice %arg11[%dma_start3A_141] : memref<2048xi32, #tpu.memory_space<vmem>> -> memref<128xi32, #tpu.memory_space<vmem>>
      %dma_start3A_143 = arith.constant 0 : i32
      %dma_start3A_144 = arith.constant 0 : i32
      %dma_start3A_145 = tpu.memref_slice %arg5[%dma_start3A_143, %dma_start3A_144] : memref<513000x8xf32, #tpu.memory_space<hbm>> -> memref<513000x8xf32, #tpu.memory_space<hbm>>
      tpu.enqueue_indirect_dma source(%dma_start3A_145 : memref<513000x8xf32, #tpu.memory_space<hbm>>) target(%dma_start3A_140 : memref<128x8xf32, #tpu.memory_space<vmem>>) offsets(%dma_start3A_142 : memref<128xi32, #tpu.memory_space<vmem>>) semaphore(%arg15 : memref<!tpu.dma_semaphore, #tpu.memory_space<semaphore_mem>>)
      %dma_start3A_146 = arith.constant 1408 : i32
      %dma_start3A_147 = arith.constant 0 : i32
      %dma_start3A_148 = tpu.memref_slice %arg13[%dma_start3A_146, %dma_start3A_147] : memref<2048x8xf32, #tpu.memory_space<vmem>> -> memref<128x8xf32, #tpu.memory_space<vmem>>
      %dma_start3A_149 = arith.constant 1408 : i32
      %dma_start3A_150 = tpu.memref_slice %arg11[%dma_start3A_149] : memref<2048xi32, #tpu.memory_space<vmem>> -> memref<128xi32, #tpu.memory_space<vmem>>
      %dma_start3A_151 = arith.constant 0 : i32
      %dma_start3A_152 = arith.constant 0 : i32
      %dma_start3A_153 = tpu.memref_slice %arg5[%dma_start3A_151, %dma_start3A_152] : memref<513000x8xf32, #tpu.memory_space<hbm>> -> memref<513000x8xf32, #tpu.memory_space<hbm>>
      tpu.enqueue_indirect_dma source(%dma_start3A_153 : memref<513000x8xf32, #tpu.memory_space<hbm>>) target(%dma_start3A_148 : memref<128x8xf32, #tpu.memory_space<vmem>>) offsets(%dma_start3A_150 : memref<128xi32, #tpu.memory_space<vmem>>) semaphore(%arg15 : memref<!tpu.dma_semaphore, #tpu.memory_space<semaphore_mem>>)
      %dma_start3A_154 = arith.constant 1536 : i32
      %dma_start3A_155 = arith.constant 0 : i32
      %dma_start3A_156 = tpu.memref_slice %arg13[%dma_start3A_154, %dma_start3A_155] : memref<2048x8xf32, #tpu.memory_space<vmem>> -> memref<128x8xf32, #tpu.memory_space<vmem>>
      %dma_start3A_157 = arith.constant 1536 : i32
      %dma_start3A_158 = tpu.memref_slice %arg11[%dma_start3A_157] : memref<2048xi32, #tpu.memory_space<vmem>> -> memref<128xi32, #tpu.memory_space<vmem>>
      %dma_start3A_159 = arith.constant 0 : i32
      %dma_start3A_160 = arith.constant 0 : i32
      %dma_start3A_161 = tpu.memref_slice %arg5[%dma_start3A_159, %dma_start3A_160] : memref<513000x8xf32, #tpu.memory_space<hbm>> -> memref<513000x8xf32, #tpu.memory_space<hbm>>
      tpu.enqueue_indirect_dma source(%dma_start3A_161 : memref<513000x8xf32, #tpu.memory_space<hbm>>) target(%dma_start3A_156 : memref<128x8xf32, #tpu.memory_space<vmem>>) offsets(%dma_start3A_158 : memref<128xi32, #tpu.memory_space<vmem>>) semaphore(%arg15 : memref<!tpu.dma_semaphore, #tpu.memory_space<semaphore_mem>>)
      %dma_start3A_162 = arith.constant 1664 : i32
      %dma_start3A_163 = arith.constant 0 : i32
      %dma_start3A_164 = tpu.memref_slice %arg13[%dma_start3A_162, %dma_start3A_163] : memref<2048x8xf32, #tpu.memory_space<vmem>> -> memref<128x8xf32, #tpu.memory_space<vmem>>
      %dma_start3A_165 = arith.constant 1664 : i32
      %dma_start3A_166 = tpu.memref_slice %arg11[%dma_start3A_165] : memref<2048xi32, #tpu.memory_space<vmem>> -> memref<128xi32, #tpu.memory_space<vmem>>
      %dma_start3A_167 = arith.constant 0 : i32
      %dma_start3A_168 = arith.constant 0 : i32
      %dma_start3A_169 = tpu.memref_slice %arg5[%dma_start3A_167, %dma_start3A_168] : memref<513000x8xf32, #tpu.memory_space<hbm>> -> memref<513000x8xf32, #tpu.memory_space<hbm>>
      tpu.enqueue_indirect_dma source(%dma_start3A_169 : memref<513000x8xf32, #tpu.memory_space<hbm>>) target(%dma_start3A_164 : memref<128x8xf32, #tpu.memory_space<vmem>>) offsets(%dma_start3A_166 : memref<128xi32, #tpu.memory_space<vmem>>) semaphore(%arg15 : memref<!tpu.dma_semaphore, #tpu.memory_space<semaphore_mem>>)
      %dma_start3A_170 = arith.constant 1792 : i32
      %dma_start3A_171 = arith.constant 0 : i32
      %dma_start3A_172 = tpu.memref_slice %arg13[%dma_start3A_170, %dma_start3A_171] : memref<2048x8xf32, #tpu.memory_space<vmem>> -> memref<128x8xf32, #tpu.memory_space<vmem>>
      %dma_start3A_173 = arith.constant 1792 : i32
      %dma_start3A_174 = tpu.memref_slice %arg11[%dma_start3A_173] : memref<2048xi32, #tpu.memory_space<vmem>> -> memref<128xi32, #tpu.memory_space<vmem>>
      %dma_start3A_175 = arith.constant 0 : i32
      %dma_start3A_176 = arith.constant 0 : i32
      %dma_start3A_177 = tpu.memref_slice %arg5[%dma_start3A_175, %dma_start3A_176] : memref<513000x8xf32, #tpu.memory_space<hbm>> -> memref<513000x8xf32, #tpu.memory_space<hbm>>
      tpu.enqueue_indirect_dma source(%dma_start3A_177 : memref<513000x8xf32, #tpu.memory_space<hbm>>) target(%dma_start3A_172 : memref<128x8xf32, #tpu.memory_space<vmem>>) offsets(%dma_start3A_174 : memref<128xi32, #tpu.memory_space<vmem>>) semaphore(%arg15 : memref<!tpu.dma_semaphore, #tpu.memory_space<semaphore_mem>>)
      %dma_start3A_178 = arith.constant 1920 : i32
      %dma_start3A_179 = arith.constant 0 : i32
      %dma_start3A_180 = tpu.memref_slice %arg13[%dma_start3A_178, %dma_start3A_179] : memref<2048x8xf32, #tpu.memory_space<vmem>> -> memref<128x8xf32, #tpu.memory_space<vmem>>
      %dma_start3A_181 = arith.constant 1920 : i32
      %dma_start3A_182 = tpu.memref_slice %arg11[%dma_start3A_181] : memref<2048xi32, #tpu.memory_space<vmem>> -> memref<128xi32, #tpu.memory_space<vmem>>
      %dma_start3A_183 = arith.constant 0 : i32
      %dma_start3A_184 = arith.constant 0 : i32
      %dma_start3A_185 = tpu.memref_slice %arg5[%dma_start3A_183, %dma_start3A_184] : memref<513000x8xf32, #tpu.memory_space<hbm>> -> memref<513000x8xf32, #tpu.memory_space<hbm>>
      tpu.enqueue_indirect_dma source(%dma_start3A_185 : memref<513000x8xf32, #tpu.memory_space<hbm>>) target(%dma_start3A_180 : memref<128x8xf32, #tpu.memory_space<vmem>>) offsets(%dma_start3A_182 : memref<128xi32, #tpu.memory_space<vmem>>) semaphore(%arg15 : memref<!tpu.dma_semaphore, #tpu.memory_space<semaphore_mem>>)
      %dma_wait3A = arith.constant 0 : i32
      %dma_wait3A_186 = arith.constant 0 : i32
      %dma_wait3A_187 = tpu.memref_slice %arg13[%dma_wait3A, %dma_wait3A_186] : memref<2048x8xf32, #tpu.memory_space<vmem>> -> memref<128x8xf32, #tpu.memory_space<vmem>>
      %dma_wait3A_188 = arith.constant 0 : i32
      %dma_wait3A_189 = tpu.memref_slice %arg11[%dma_wait3A_188] : memref<2048xi32, #tpu.memory_space<vmem>> -> memref<128xi32, #tpu.memory_space<vmem>>
      %dma_wait3A_190 = arith.constant 0 : i32
      %dma_wait3A_191 = arith.constant 0 : i32
      %dma_wait3A_192 = tpu.memref_slice %arg5[%dma_wait3A_190, %dma_wait3A_191] : memref<513000x8xf32, #tpu.memory_space<hbm>> -> memref<513000x8xf32, #tpu.memory_space<hbm>>
      tpu.wait_indirect_dma semaphore(%arg15 : memref<!tpu.dma_semaphore, #tpu.memory_space<semaphore_mem>>) src(%dma_wait3A_192 : memref<513000x8xf32, #tpu.memory_space<hbm>>) dst(%dma_wait3A_187 : memref<128x8xf32, #tpu.memory_space<vmem>>)
      %dma_wait3A_193 = arith.constant 128 : i32
      %dma_wait3A_194 = arith.constant 0 : i32
      %dma_wait3A_195 = tpu.memref_slice %arg13[%dma_wait3A_193, %dma_wait3A_194] : memref<2048x8xf32, #tpu.memory_space<vmem>> -> memref<128x8xf32, #tpu.memory_space<vmem>>
      %dma_wait3A_196 = arith.constant 128 : i32
      %dma_wait3A_197 = tpu.memref_slice %arg11[%dma_wait3A_196] : memref<2048xi32, #tpu.memory_space<vmem>> -> memref<128xi32, #tpu.memory_space<vmem>>
      %dma_wait3A_198 = arith.constant 0 : i32
      %dma_wait3A_199 = arith.constant 0 : i32
      %dma_wait3A_200 = tpu.memref_slice %arg5[%dma_wait3A_198, %dma_wait3A_199] : memref<513000x8xf32, #tpu.memory_space<hbm>> -> memref<513000x8xf32, #tpu.memory_space<hbm>>
      tpu.wait_indirect_dma semaphore(%arg15 : memref<!tpu.dma_semaphore, #tpu.memory_space<semaphore_mem>>) src(%dma_wait3A_200 : memref<513000x8xf32, #tpu.memory_space<hbm>>) dst(%dma_wait3A_195 : memref<128x8xf32, #tpu.memory_space<vmem>>)
      %dma_wait3A_201 = arith.constant 256 : i32
      %dma_wait3A_202 = arith.constant 0 : i32
      %dma_wait3A_203 = tpu.memref_slice %arg13[%dma_wait3A_201, %dma_wait3A_202] : memref<2048x8xf32, #tpu.memory_space<vmem>> -> memref<128x8xf32, #tpu.memory_space<vmem>>
      %dma_wait3A_204 = arith.constant 256 : i32
      %dma_wait3A_205 = tpu.memref_slice %arg11[%dma_wait3A_204] : memref<2048xi32, #tpu.memory_space<vmem>> -> memref<128xi32, #tpu.memory_space<vmem>>
      %dma_wait3A_206 = arith.constant 0 : i32
      %dma_wait3A_207 = arith.constant 0 : i32
      %dma_wait3A_208 = tpu.memref_slice %arg5[%dma_wait3A_206, %dma_wait3A_207] : memref<513000x8xf32, #tpu.memory_space<hbm>> -> memref<513000x8xf32, #tpu.memory_space<hbm>>
      tpu.wait_indirect_dma semaphore(%arg15 : memref<!tpu.dma_semaphore, #tpu.memory_space<semaphore_mem>>) src(%dma_wait3A_208 : memref<513000x8xf32, #tpu.memory_space<hbm>>) dst(%dma_wait3A_203 : memref<128x8xf32, #tpu.memory_space<vmem>>)
      %dma_wait3A_209 = arith.constant 384 : i32
      %dma_wait3A_210 = arith.constant 0 : i32
      %dma_wait3A_211 = tpu.memref_slice %arg13[%dma_wait3A_209, %dma_wait3A_210] : memref<2048x8xf32, #tpu.memory_space<vmem>> -> memref<128x8xf32, #tpu.memory_space<vmem>>
      %dma_wait3A_212 = arith.constant 384 : i32
      %dma_wait3A_213 = tpu.memref_slice %arg11[%dma_wait3A_212] : memref<2048xi32, #tpu.memory_space<vmem>> -> memref<128xi32, #tpu.memory_space<vmem>>
      %dma_wait3A_214 = arith.constant 0 : i32
      %dma_wait3A_215 = arith.constant 0 : i32
      %dma_wait3A_216 = tpu.memref_slice %arg5[%dma_wait3A_214, %dma_wait3A_215] : memref<513000x8xf32, #tpu.memory_space<hbm>> -> memref<513000x8xf32, #tpu.memory_space<hbm>>
      tpu.wait_indirect_dma semaphore(%arg15 : memref<!tpu.dma_semaphore, #tpu.memory_space<semaphore_mem>>) src(%dma_wait3A_216 : memref<513000x8xf32, #tpu.memory_space<hbm>>) dst(%dma_wait3A_211 : memref<128x8xf32, #tpu.memory_space<vmem>>)
      %dma_wait3A_217 = arith.constant 512 : i32
      %dma_wait3A_218 = arith.constant 0 : i32
      %dma_wait3A_219 = tpu.memref_slice %arg13[%dma_wait3A_217, %dma_wait3A_218] : memref<2048x8xf32, #tpu.memory_space<vmem>> -> memref<128x8xf32, #tpu.memory_space<vmem>>
      %dma_wait3A_220 = arith.constant 512 : i32
      %dma_wait3A_221 = tpu.memref_slice %arg11[%dma_wait3A_220] : memref<2048xi32, #tpu.memory_space<vmem>> -> memref<128xi32, #tpu.memory_space<vmem>>
      %dma_wait3A_222 = arith.constant 0 : i32
      %dma_wait3A_223 = arith.constant 0 : i32
      %dma_wait3A_224 = tpu.memref_slice %arg5[%dma_wait3A_222, %dma_wait3A_223] : memref<513000x8xf32, #tpu.memory_space<hbm>> -> memref<513000x8xf32, #tpu.memory_space<hbm>>
      tpu.wait_indirect_dma semaphore(%arg15 : memref<!tpu.dma_semaphore, #tpu.memory_space<semaphore_mem>>) src(%dma_wait3A_224 : memref<513000x8xf32, #tpu.memory_space<hbm>>) dst(%dma_wait3A_219 : memref<128x8xf32, #tpu.memory_space<vmem>>)
      %dma_wait3A_225 = arith.constant 640 : i32
      %dma_wait3A_226 = arith.constant 0 : i32
      %dma_wait3A_227 = tpu.memref_slice %arg13[%dma_wait3A_225, %dma_wait3A_226] : memref<2048x8xf32, #tpu.memory_space<vmem>> -> memref<128x8xf32, #tpu.memory_space<vmem>>
      %dma_wait3A_228 = arith.constant 640 : i32
      %dma_wait3A_229 = tpu.memref_slice %arg11[%dma_wait3A_228] : memref<2048xi32, #tpu.memory_space<vmem>> -> memref<128xi32, #tpu.memory_space<vmem>>
      %dma_wait3A_230 = arith.constant 0 : i32
      %dma_wait3A_231 = arith.constant 0 : i32
      %dma_wait3A_232 = tpu.memref_slice %arg5[%dma_wait3A_230, %dma_wait3A_231] : memref<513000x8xf32, #tpu.memory_space<hbm>> -> memref<513000x8xf32, #tpu.memory_space<hbm>>
      tpu.wait_indirect_dma semaphore(%arg15 : memref<!tpu.dma_semaphore, #tpu.memory_space<semaphore_mem>>) src(%dma_wait3A_232 : memref<513000x8xf32, #tpu.memory_space<hbm>>) dst(%dma_wait3A_227 : memref<128x8xf32, #tpu.memory_space<vmem>>)
      %dma_wait3A_233 = arith.constant 768 : i32
      %dma_wait3A_234 = arith.constant 0 : i32
      %dma_wait3A_235 = tpu.memref_slice %arg13[%dma_wait3A_233, %dma_wait3A_234] : memref<2048x8xf32, #tpu.memory_space<vmem>> -> memref<128x8xf32, #tpu.memory_space<vmem>>
      %dma_wait3A_236 = arith.constant 768 : i32
      %dma_wait3A_237 = tpu.memref_slice %arg11[%dma_wait3A_236] : memref<2048xi32, #tpu.memory_space<vmem>> -> memref<128xi32, #tpu.memory_space<vmem>>
      %dma_wait3A_238 = arith.constant 0 : i32
      %dma_wait3A_239 = arith.constant 0 : i32
      %dma_wait3A_240 = tpu.memref_slice %arg5[%dma_wait3A_238, %dma_wait3A_239] : memref<513000x8xf32, #tpu.memory_space<hbm>> -> memref<513000x8xf32, #tpu.memory_space<hbm>>
      tpu.wait_indirect_dma semaphore(%arg15 : memref<!tpu.dma_semaphore, #tpu.memory_space<semaphore_mem>>) src(%dma_wait3A_240 : memref<513000x8xf32, #tpu.memory_space<hbm>>) dst(%dma_wait3A_235 : memref<128x8xf32, #tpu.memory_space<vmem>>)
      %dma_wait3A_241 = arith.constant 896 : i32
      %dma_wait3A_242 = arith.constant 0 : i32
      %dma_wait3A_243 = tpu.memref_slice %arg13[%dma_wait3A_241, %dma_wait3A_242] : memref<2048x8xf32, #tpu.memory_space<vmem>> -> memref<128x8xf32, #tpu.memory_space<vmem>>
      %dma_wait3A_244 = arith.constant 896 : i32
      %dma_wait3A_245 = tpu.memref_slice %arg11[%dma_wait3A_244] : memref<2048xi32, #tpu.memory_space<vmem>> -> memref<128xi32, #tpu.memory_space<vmem>>
      %dma_wait3A_246 = arith.constant 0 : i32
      %dma_wait3A_247 = arith.constant 0 : i32
      %dma_wait3A_248 = tpu.memref_slice %arg5[%dma_wait3A_246, %dma_wait3A_247] : memref<513000x8xf32, #tpu.memory_space<hbm>> -> memref<513000x8xf32, #tpu.memory_space<hbm>>
      tpu.wait_indirect_dma semaphore(%arg15 : memref<!tpu.dma_semaphore, #tpu.memory_space<semaphore_mem>>) src(%dma_wait3A_248 : memref<513000x8xf32, #tpu.memory_space<hbm>>) dst(%dma_wait3A_243 : memref<128x8xf32, #tpu.memory_space<vmem>>)
      %dma_wait3A_249 = arith.constant 1024 : i32
      %dma_wait3A_250 = arith.constant 0 : i32
      %dma_wait3A_251 = tpu.memref_slice %arg13[%dma_wait3A_249, %dma_wait3A_250] : memref<2048x8xf32, #tpu.memory_space<vmem>> -> memref<128x8xf32, #tpu.memory_space<vmem>>
      %dma_wait3A_252 = arith.constant 1024 : i32
      %dma_wait3A_253 = tpu.memref_slice %arg11[%dma_wait3A_252] : memref<2048xi32, #tpu.memory_space<vmem>> -> memref<128xi32, #tpu.memory_space<vmem>>
      %dma_wait3A_254 = arith.constant 0 : i32
      %dma_wait3A_255 = arith.constant 0 : i32
      %dma_wait3A_256 = tpu.memref_slice %arg5[%dma_wait3A_254, %dma_wait3A_255] : memref<513000x8xf32, #tpu.memory_space<hbm>> -> memref<513000x8xf32, #tpu.memory_space<hbm>>
      tpu.wait_indirect_dma semaphore(%arg15 : memref<!tpu.dma_semaphore, #tpu.memory_space<semaphore_mem>>) src(%dma_wait3A_256 : memref<513000x8xf32, #tpu.memory_space<hbm>>) dst(%dma_wait3A_251 : memref<128x8xf32, #tpu.memory_space<vmem>>)
      %dma_wait3A_257 = arith.constant 1152 : i32
      %dma_wait3A_258 = arith.constant 0 : i32
      %dma_wait3A_259 = tpu.memref_slice %arg13[%dma_wait3A_257, %dma_wait3A_258] : memref<2048x8xf32, #tpu.memory_space<vmem>> -> memref<128x8xf32, #tpu.memory_space<vmem>>
      %dma_wait3A_260 = arith.constant 1152 : i32
      %dma_wait3A_261 = tpu.memref_slice %arg11[%dma_wait3A_260] : memref<2048xi32, #tpu.memory_space<vmem>> -> memref<128xi32, #tpu.memory_space<vmem>>
      %dma_wait3A_262 = arith.constant 0 : i32
      %dma_wait3A_263 = arith.constant 0 : i32
      %dma_wait3A_264 = tpu.memref_slice %arg5[%dma_wait3A_262, %dma_wait3A_263] : memref<513000x8xf32, #tpu.memory_space<hbm>> -> memref<513000x8xf32, #tpu.memory_space<hbm>>
      tpu.wait_indirect_dma semaphore(%arg15 : memref<!tpu.dma_semaphore, #tpu.memory_space<semaphore_mem>>) src(%dma_wait3A_264 : memref<513000x8xf32, #tpu.memory_space<hbm>>) dst(%dma_wait3A_259 : memref<128x8xf32, #tpu.memory_space<vmem>>)
      %dma_wait3A_265 = arith.constant 1280 : i32
      %dma_wait3A_266 = arith.constant 0 : i32
      %dma_wait3A_267 = tpu.memref_slice %arg13[%dma_wait3A_265, %dma_wait3A_266] : memref<2048x8xf32, #tpu.memory_space<vmem>> -> memref<128x8xf32, #tpu.memory_space<vmem>>
      %dma_wait3A_268 = arith.constant 1280 : i32
      %dma_wait3A_269 = tpu.memref_slice %arg11[%dma_wait3A_268] : memref<2048xi32, #tpu.memory_space<vmem>> -> memref<128xi32, #tpu.memory_space<vmem>>
      %dma_wait3A_270 = arith.constant 0 : i32
      %dma_wait3A_271 = arith.constant 0 : i32
      %dma_wait3A_272 = tpu.memref_slice %arg5[%dma_wait3A_270, %dma_wait3A_271] : memref<513000x8xf32, #tpu.memory_space<hbm>> -> memref<513000x8xf32, #tpu.memory_space<hbm>>
      tpu.wait_indirect_dma semaphore(%arg15 : memref<!tpu.dma_semaphore, #tpu.memory_space<semaphore_mem>>) src(%dma_wait3A_272 : memref<513000x8xf32, #tpu.memory_space<hbm>>) dst(%dma_wait3A_267 : memref<128x8xf32, #tpu.memory_space<vmem>>)
      %dma_wait3A_273 = arith.constant 1408 : i32
      %dma_wait3A_274 = arith.constant 0 : i32
      %dma_wait3A_275 = tpu.memref_slice %arg13[%dma_wait3A_273, %dma_wait3A_274] : memref<2048x8xf32, #tpu.memory_space<vmem>> -> memref<128x8xf32, #tpu.memory_space<vmem>>
      %dma_wait3A_276 = arith.constant 1408 : i32
      %dma_wait3A_277 = tpu.memref_slice %arg11[%dma_wait3A_276] : memref<2048xi32, #tpu.memory_space<vmem>> -> memref<128xi32, #tpu.memory_space<vmem>>
      %dma_wait3A_278 = arith.constant 0 : i32
      %dma_wait3A_279 = arith.constant 0 : i32
      %dma_wait3A_280 = tpu.memref_slice %arg5[%dma_wait3A_278, %dma_wait3A_279] : memref<513000x8xf32, #tpu.memory_space<hbm>> -> memref<513000x8xf32, #tpu.memory_space<hbm>>
      tpu.wait_indirect_dma semaphore(%arg15 : memref<!tpu.dma_semaphore, #tpu.memory_space<semaphore_mem>>) src(%dma_wait3A_280 : memref<513000x8xf32, #tpu.memory_space<hbm>>) dst(%dma_wait3A_275 : memref<128x8xf32, #tpu.memory_space<vmem>>)
      %dma_wait3A_281 = arith.constant 1536 : i32
      %dma_wait3A_282 = arith.constant 0 : i32
      %dma_wait3A_283 = tpu.memref_slice %arg13[%dma_wait3A_281, %dma_wait3A_282] : memref<2048x8xf32, #tpu.memory_space<vmem>> -> memref<128x8xf32, #tpu.memory_space<vmem>>
      %dma_wait3A_284 = arith.constant 1536 : i32
      %dma_wait3A_285 = tpu.memref_slice %arg11[%dma_wait3A_284] : memref<2048xi32, #tpu.memory_space<vmem>> -> memref<128xi32, #tpu.memory_space<vmem>>
      %dma_wait3A_286 = arith.constant 0 : i32
      %dma_wait3A_287 = arith.constant 0 : i32
      %dma_wait3A_288 = tpu.memref_slice %arg5[%dma_wait3A_286, %dma_wait3A_287] : memref<513000x8xf32, #tpu.memory_space<hbm>> -> memref<513000x8xf32, #tpu.memory_space<hbm>>
      tpu.wait_indirect_dma semaphore(%arg15 : memref<!tpu.dma_semaphore, #tpu.memory_space<semaphore_mem>>) src(%dma_wait3A_288 : memref<513000x8xf32, #tpu.memory_space<hbm>>) dst(%dma_wait3A_283 : memref<128x8xf32, #tpu.memory_space<vmem>>)
      %dma_wait3A_289 = arith.constant 1664 : i32
      %dma_wait3A_290 = arith.constant 0 : i32
      %dma_wait3A_291 = tpu.memref_slice %arg13[%dma_wait3A_289, %dma_wait3A_290] : memref<2048x8xf32, #tpu.memory_space<vmem>> -> memref<128x8xf32, #tpu.memory_space<vmem>>
      %dma_wait3A_292 = arith.constant 1664 : i32
      %dma_wait3A_293 = tpu.memref_slice %arg11[%dma_wait3A_292] : memref<2048xi32, #tpu.memory_space<vmem>> -> memref<128xi32, #tpu.memory_space<vmem>>
      %dma_wait3A_294 = arith.constant 0 : i32
      %dma_wait3A_295 = arith.constant 0 : i32
      %dma_wait3A_296 = tpu.memref_slice %arg5[%dma_wait3A_294, %dma_wait3A_295] : memref<513000x8xf32, #tpu.memory_space<hbm>> -> memref<513000x8xf32, #tpu.memory_space<hbm>>
      tpu.wait_indirect_dma semaphore(%arg15 : memref<!tpu.dma_semaphore, #tpu.memory_space<semaphore_mem>>) src(%dma_wait3A_296 : memref<513000x8xf32, #tpu.memory_space<hbm>>) dst(%dma_wait3A_291 : memref<128x8xf32, #tpu.memory_space<vmem>>)
      %dma_wait3A_297 = arith.constant 1792 : i32
      %dma_wait3A_298 = arith.constant 0 : i32
      %dma_wait3A_299 = tpu.memref_slice %arg13[%dma_wait3A_297, %dma_wait3A_298] : memref<2048x8xf32, #tpu.memory_space<vmem>> -> memref<128x8xf32, #tpu.memory_space<vmem>>
      %dma_wait3A_300 = arith.constant 1792 : i32
      %dma_wait3A_301 = tpu.memref_slice %arg11[%dma_wait3A_300] : memref<2048xi32, #tpu.memory_space<vmem>> -> memref<128xi32, #tpu.memory_space<vmem>>
      %dma_wait3A_302 = arith.constant 0 : i32
      %dma_wait3A_303 = arith.constant 0 : i32
      %dma_wait3A_304 = tpu.memref_slice %arg5[%dma_wait3A_302, %dma_wait3A_303] : memref<513000x8xf32, #tpu.memory_space<hbm>> -> memref<513000x8xf32, #tpu.memory_space<hbm>>
      tpu.wait_indirect_dma semaphore(%arg15 : memref<!tpu.dma_semaphore, #tpu.memory_space<semaphore_mem>>) src(%dma_wait3A_304 : memref<513000x8xf32, #tpu.memory_space<hbm>>) dst(%dma_wait3A_299 : memref<128x8xf32, #tpu.memory_space<vmem>>)
      %dma_wait3A_305 = arith.constant 1920 : i32
      %dma_wait3A_306 = arith.constant 0 : i32
      %dma_wait3A_307 = tpu.memref_slice %arg13[%dma_wait3A_305, %dma_wait3A_306] : memref<2048x8xf32, #tpu.memory_space<vmem>> -> memref<128x8xf32, #tpu.memory_space<vmem>>
      %dma_wait3A_308 = arith.constant 1920 : i32
      %dma_wait3A_309 = tpu.memref_slice %arg11[%dma_wait3A_308] : memref<2048xi32, #tpu.memory_space<vmem>> -> memref<128xi32, #tpu.memory_space<vmem>>
      %dma_wait3A_310 = arith.constant 0 : i32
      %dma_wait3A_311 = arith.constant 0 : i32
      %dma_wait3A_312 = tpu.memref_slice %arg5[%dma_wait3A_310, %dma_wait3A_311] : memref<513000x8xf32, #tpu.memory_space<hbm>> -> memref<513000x8xf32, #tpu.memory_space<hbm>>
      tpu.wait_indirect_dma semaphore(%arg15 : memref<!tpu.dma_semaphore, #tpu.memory_space<semaphore_mem>>) src(%dma_wait3A_312 : memref<513000x8xf32, #tpu.memory_space<hbm>>) dst(%dma_wait3A_307 : memref<128x8xf32, #tpu.memory_space<vmem>>)
      %scan3A_313 = arith.constant 0 : i32
      %scan3A_314 = arith.constant 0 : i32
      %scan3A_315 = arith.constant 1024 : i32
      %scan3A_316 = arith.addi %scan3A_314, %scan3A_315 : i32
      %scan3A_317 = arith.constant 1 : i32
      scf.for %scan3A_319 = %scan3A_314 to %scan3A_316 step %scan3A_317  : i32 {
        %mul3A_320 = arith.constant 2 : i32
        %mul3A_321 = arith.muli %scan3A_319, %mul3A_320 : i32
        %add3A_322 = vector.broadcast %mul3A_321 : i32 to vector<16xi32>
        %add3A_323 = arith.addi %shift_right_arithmetic3A_4, %add3A_322 : vector<16xi32>
        %gather3A = tpu.vector_load_idx %arg10[%add3A_323] : memref<2048xi32, #tpu.memory_space<vmem>>[vector<16xi32>], vector<16xi32>,
        %gather3A_324 = tpu.vector_load_idx %arg12[%add3A_323] : memref<2048xf32, #tpu.memory_space<vmem>>[vector<16xi32>], vector<16xf32>,
        %gather3A_325 = tpu.vector_load_idx %arg13[%add3A_323, %and3A_2] : memref<2048x8xf32, #tpu.memory_space<vmem>>[vector<16xi32>, vector<16xi32>], vector<16xf32>,
        %mul3A_326 = arith.mulf %gather3A_325, %gather3A_324 : vector<16xf32>
        %sub3A = vector.broadcast %mul3A_12 : i32 to vector<16xi32>
        %sub3A_327 = arith.subi %gather3A, %sub3A : vector<16xi32>
        %mul3A_328 = arith.constant 8 : i32
        %mul3A_329 = vector.broadcast %mul3A_328 : i32 to vector<16xi32>
        %mul3A_330 = arith.muli %sub3A_327, %mul3A_329 : vector<16xi32>
        %add3A_331 = arith.addi %mul3A_330, %add3A_8 : vector<16xi32>
        %ge3A = vector.broadcast %mul3A_12 : i32 to vector<16xi32>
        %ge3A_332 = arith.cmpi sge, %gather3A, %ge3A : vector<16xi32>
        %lt3A_333 = vector.broadcast %add3A_14 : i32 to vector<16xi32>
        %lt3A_334 = arith.cmpi slt, %gather3A, %lt3A_333 : vector<16xi32>
        %and3A_335 = arith.andi %ge3A_332, %lt3A_334 : vector<16xi1>
        %and3A_336 = arith.andi %and3A_335, %lt3A_10 : vector<16xi1>
        tpu.vector_store_idx %arg14[%add3A_331], %mul3A_326 masked %and3A_336 {add = true} : memref<65536xf32, #tpu.memory_space<vmem>>[vector<16xi32>], vector<16xf32>, vector<16xi1>
      }
      %scan3A_318 = arith.constant 1024 : i32
    }
    %while3A_35 = arith.constant 1 : i32
    scf.for %while3A_56 = %while3A_33 to %while3A_29 step %while3A_35  : i32 {
      %mul3A_57 = arith.constant 2048 : i32
      %mul3A_58 = arith.muli %while3A_56, %mul3A_57 : i32
      %multiple_of3A = tpu.assume_multiple %mul3A_58, 8 : i32
      "tpu.region"() ({
        %run_scoped3A = tpu.sem_alloc : memref<!tpu.dma_semaphore, #tpu.memory_space<semaphore_mem>>
        %dma_start3A_319 = tpu.memref_slice %arg2[%multiple_of3A] : memref<4001792xi32, #tpu.memory_space<hbm>> -> memref<2048xi32, #tpu.memory_space<hbm>>
        %dma_start3A_320 = tpu.memref_slice %arg2[%multiple_of3A] : memref<4001792xi32, #tpu.memory_space<hbm>> -> memref<2048xi32, #tpu.memory_space<hbm>>
        tpu.enqueue_dma source(%dma_start3A_320 : memref<2048xi32, #tpu.memory_space<hbm>>) target(%arg10 : memref<2048xi32, #tpu.memory_space<vmem>>) target_semaphore(%run_scoped3A : memref<!tpu.dma_semaphore, #tpu.memory_space<semaphore_mem>>)
        %dma_wait3A_321 = tpu.memref_slice %arg2[%multiple_of3A] : memref<4001792xi32, #tpu.memory_space<hbm>> -> memref<2048xi32, #tpu.memory_space<hbm>>
        %dma_wait3A_322 = tpu.memref_slice %arg2[%multiple_of3A] : memref<4001792xi32, #tpu.memory_space<hbm>> -> memref<2048xi32, #tpu.memory_space<hbm>>
        tpu.wait_dma2 semaphore(%run_scoped3A : memref<!tpu.dma_semaphore, #tpu.memory_space<semaphore_mem>>) src(%dma_wait3A_322 : memref<2048xi32, #tpu.memory_space<hbm>>) dst(%arg10 : memref<2048xi32, #tpu.memory_space<vmem>>)
        tpu.yield
      }) : () -> ()
      "tpu.region"() ({
        %run_scoped3A = tpu.sem_alloc : memref<!tpu.dma_semaphore, #tpu.memory_space<semaphore_mem>>
        %dma_start3A_319 = tpu.memref_slice %arg3[%multiple_of3A] : memref<4001792xi32, #tpu.memory_space<hbm>> -> memref<2048xi32, #tpu.memory_space<hbm>>
        %dma_start3A_320 = tpu.memref_slice %arg3[%multiple_of3A] : memref<4001792xi32, #tpu.memory_space<hbm>> -> memref<2048xi32, #tpu.memory_space<hbm>>
        tpu.enqueue_dma source(%dma_start3A_320 : memref<2048xi32, #tpu.memory_space<hbm>>) target(%arg11 : memref<2048xi32, #tpu.memory_space<vmem>>) target_semaphore(%run_scoped3A : memref<!tpu.dma_semaphore, #tpu.memory_space<semaphore_mem>>)
        %dma_wait3A_321 = tpu.memref_slice %arg3[%multiple_of3A] : memref<4001792xi32, #tpu.memory_space<hbm>> -> memref<2048xi32, #tpu.memory_space<hbm>>
        %dma_wait3A_322 = tpu.memref_slice %arg3[%multiple_of3A] : memref<4001792xi32, #tpu.memory_space<hbm>> -> memref<2048xi32, #tpu.memory_space<hbm>>
        tpu.wait_dma2 semaphore(%run_scoped3A : memref<!tpu.dma_semaphore, #tpu.memory_space<semaphore_mem>>) src(%dma_wait3A_322 : memref<2048xi32, #tpu.memory_space<hbm>>) dst(%arg11 : memref<2048xi32, #tpu.memory_space<vmem>>)
        tpu.yield
      }) : () -> ()
      "tpu.region"() ({
        %run_scoped3A = tpu.sem_alloc : memref<!tpu.dma_semaphore, #tpu.memory_space<semaphore_mem>>
        %dma_start3A_319 = tpu.memref_slice %arg4[%multiple_of3A] : memref<4001792xf32, #tpu.memory_space<hbm>> -> memref<2048xf32, #tpu.memory_space<hbm>>
        %dma_start3A_320 = tpu.memref_slice %arg4[%multiple_of3A] : memref<4001792xf32, #tpu.memory_space<hbm>> -> memref<2048xf32, #tpu.memory_space<hbm>>
        tpu.enqueue_dma source(%dma_start3A_320 : memref<2048xf32, #tpu.memory_space<hbm>>) target(%arg12 : memref<2048xf32, #tpu.memory_space<vmem>>) target_semaphore(%run_scoped3A : memref<!tpu.dma_semaphore, #tpu.memory_space<semaphore_mem>>)
        %dma_wait3A_321 = tpu.memref_slice %arg4[%multiple_of3A] : memref<4001792xf32, #tpu.memory_space<hbm>> -> memref<2048xf32, #tpu.memory_space<hbm>>
        %dma_wait3A_322 = tpu.memref_slice %arg4[%multiple_of3A] : memref<4001792xf32, #tpu.memory_space<hbm>> -> memref<2048xf32, #tpu.memory_space<hbm>>
        tpu.wait_dma2 semaphore(%run_scoped3A : memref<!tpu.dma_semaphore, #tpu.memory_space<semaphore_mem>>) src(%dma_wait3A_322 : memref<2048xf32, #tpu.memory_space<hbm>>) dst(%arg12 : memref<2048xf32, #tpu.memory_space<vmem>>)
        tpu.yield
      }) : () -> ()
      %dma_start3A = arith.constant 0 : i32
      %dma_start3A_59 = arith.constant 0 : i32
      %dma_start3A_60 = tpu.memref_slice %arg13[%dma_start3A, %dma_start3A_59] : memref<2048x8xf32, #tpu.memory_space<vmem>> -> memref<128x8xf32, #tpu.memory_space<vmem>>
      %dma_start3A_61 = arith.constant 0 : i32
      %dma_start3A_62 = tpu.memref_slice %arg11[%dma_start3A_61] : memref<2048xi32, #tpu.memory_space<vmem>> -> memref<128xi32, #tpu.memory_space<vmem>>
      %dma_start3A_63 = arith.constant 0 : i32
      %dma_start3A_64 = arith.constant 0 : i32
      %dma_start3A_65 = tpu.memref_slice %arg5[%dma_start3A_63, %dma_start3A_64] : memref<513000x8xf32, #tpu.memory_space<hbm>> -> memref<513000x8xf32, #tpu.memory_space<hbm>>
      tpu.enqueue_indirect_dma source(%dma_start3A_65 : memref<513000x8xf32, #tpu.memory_space<hbm>>) target(%dma_start3A_60 : memref<128x8xf32, #tpu.memory_space<vmem>>) offsets(%dma_start3A_62 : memref<128xi32, #tpu.memory_space<vmem>>) semaphore(%arg15 : memref<!tpu.dma_semaphore, #tpu.memory_space<semaphore_mem>>)
      %dma_start3A_66 = arith.constant 128 : i32
      %dma_start3A_67 = arith.constant 0 : i32
      %dma_start3A_68 = tpu.memref_slice %arg13[%dma_start3A_66, %dma_start3A_67] : memref<2048x8xf32, #tpu.memory_space<vmem>> -> memref<128x8xf32, #tpu.memory_space<vmem>>
      %dma_start3A_69 = arith.constant 128 : i32
      %dma_start3A_70 = tpu.memref_slice %arg11[%dma_start3A_69] : memref<2048xi32, #tpu.memory_space<vmem>> -> memref<128xi32, #tpu.memory_space<vmem>>
      %dma_start3A_71 = arith.constant 0 : i32
      %dma_start3A_72 = arith.constant 0 : i32
      %dma_start3A_73 = tpu.memref_slice %arg5[%dma_start3A_71, %dma_start3A_72] : memref<513000x8xf32, #tpu.memory_space<hbm>> -> memref<513000x8xf32, #tpu.memory_space<hbm>>
      tpu.enqueue_indirect_dma source(%dma_start3A_73 : memref<513000x8xf32, #tpu.memory_space<hbm>>) target(%dma_start3A_68 : memref<128x8xf32, #tpu.memory_space<vmem>>) offsets(%dma_start3A_70 : memref<128xi32, #tpu.memory_space<vmem>>) semaphore(%arg15 : memref<!tpu.dma_semaphore, #tpu.memory_space<semaphore_mem>>)
      %dma_start3A_74 = arith.constant 256 : i32
      %dma_start3A_75 = arith.constant 0 : i32
      %dma_start3A_76 = tpu.memref_slice %arg13[%dma_start3A_74, %dma_start3A_75] : memref<2048x8xf32, #tpu.memory_space<vmem>> -> memref<128x8xf32, #tpu.memory_space<vmem>>
      %dma_start3A_77 = arith.constant 256 : i32
      %dma_start3A_78 = tpu.memref_slice %arg11[%dma_start3A_77] : memref<2048xi32, #tpu.memory_space<vmem>> -> memref<128xi32, #tpu.memory_space<vmem>>
      %dma_start3A_79 = arith.constant 0 : i32
      %dma_start3A_80 = arith.constant 0 : i32
      %dma_start3A_81 = tpu.memref_slice %arg5[%dma_start3A_79, %dma_start3A_80] : memref<513000x8xf32, #tpu.memory_space<hbm>> -> memref<513000x8xf32, #tpu.memory_space<hbm>>
      tpu.enqueue_indirect_dma source(%dma_start3A_81 : memref<513000x8xf32, #tpu.memory_space<hbm>>) target(%dma_start3A_76 : memref<128x8xf32, #tpu.memory_space<vmem>>) offsets(%dma_start3A_78 : memref<128xi32, #tpu.memory_space<vmem>>) semaphore(%arg15 : memref<!tpu.dma_semaphore, #tpu.memory_space<semaphore_mem>>)
      %dma_start3A_82 = arith.constant 384 : i32
      %dma_start3A_83 = arith.constant 0 : i32
      %dma_start3A_84 = tpu.memref_slice %arg13[%dma_start3A_82, %dma_start3A_83] : memref<2048x8xf32, #tpu.memory_space<vmem>> -> memref<128x8xf32, #tpu.memory_space<vmem>>
      %dma_start3A_85 = arith.constant 384 : i32
      %dma_start3A_86 = tpu.memref_slice %arg11[%dma_start3A_85] : memref<2048xi32, #tpu.memory_space<vmem>> -> memref<128xi32, #tpu.memory_space<vmem>>
      %dma_start3A_87 = arith.constant 0 : i32
      %dma_start3A_88 = arith.constant 0 : i32
      %dma_start3A_89 = tpu.memref_slice %arg5[%dma_start3A_87, %dma_start3A_88] : memref<513000x8xf32, #tpu.memory_space<hbm>> -> memref<513000x8xf32, #tpu.memory_space<hbm>>
      tpu.enqueue_indirect_dma source(%dma_start3A_89 : memref<513000x8xf32, #tpu.memory_space<hbm>>) target(%dma_start3A_84 : memref<128x8xf32, #tpu.memory_space<vmem>>) offsets(%dma_start3A_86 : memref<128xi32, #tpu.memory_space<vmem>>) semaphore(%arg15 : memref<!tpu.dma_semaphore, #tpu.memory_space<semaphore_mem>>)
      %dma_start3A_90 = arith.constant 512 : i32
      %dma_start3A_91 = arith.constant 0 : i32
      %dma_start3A_92 = tpu.memref_slice %arg13[%dma_start3A_90, %dma_start3A_91] : memref<2048x8xf32, #tpu.memory_space<vmem>> -> memref<128x8xf32, #tpu.memory_space<vmem>>
      %dma_start3A_93 = arith.constant 512 : i32
      %dma_start3A_94 = tpu.memref_slice %arg11[%dma_start3A_93] : memref<2048xi32, #tpu.memory_space<vmem>> -> memref<128xi32, #tpu.memory_space<vmem>>
      %dma_start3A_95 = arith.constant 0 : i32
      %dma_start3A_96 = arith.constant 0 : i32
      %dma_start3A_97 = tpu.memref_slice %arg5[%dma_start3A_95, %dma_start3A_96] : memref<513000x8xf32, #tpu.memory_space<hbm>> -> memref<513000x8xf32, #tpu.memory_space<hbm>>
      tpu.enqueue_indirect_dma source(%dma_start3A_97 : memref<513000x8xf32, #tpu.memory_space<hbm>>) target(%dma_start3A_92 : memref<128x8xf32, #tpu.memory_space<vmem>>) offsets(%dma_start3A_94 : memref<128xi32, #tpu.memory_space<vmem>>) semaphore(%arg15 : memref<!tpu.dma_semaphore, #tpu.memory_space<semaphore_mem>>)
      %dma_start3A_98 = arith.constant 640 : i32
      %dma_start3A_99 = arith.constant 0 : i32
      %dma_start3A_100 = tpu.memref_slice %arg13[%dma_start3A_98, %dma_start3A_99] : memref<2048x8xf32, #tpu.memory_space<vmem>> -> memref<128x8xf32, #tpu.memory_space<vmem>>
      %dma_start3A_101 = arith.constant 640 : i32
      %dma_start3A_102 = tpu.memref_slice %arg11[%dma_start3A_101] : memref<2048xi32, #tpu.memory_space<vmem>> -> memref<128xi32, #tpu.memory_space<vmem>>
      %dma_start3A_103 = arith.constant 0 : i32
      %dma_start3A_104 = arith.constant 0 : i32
      %dma_start3A_105 = tpu.memref_slice %arg5[%dma_start3A_103, %dma_start3A_104] : memref<513000x8xf32, #tpu.memory_space<hbm>> -> memref<513000x8xf32, #tpu.memory_space<hbm>>
      tpu.enqueue_indirect_dma source(%dma_start3A_105 : memref<513000x8xf32, #tpu.memory_space<hbm>>) target(%dma_start3A_100 : memref<128x8xf32, #tpu.memory_space<vmem>>) offsets(%dma_start3A_102 : memref<128xi32, #tpu.memory_space<vmem>>) semaphore(%arg15 : memref<!tpu.dma_semaphore, #tpu.memory_space<semaphore_mem>>)
      %dma_start3A_106 = arith.constant 768 : i32
      %dma_start3A_107 = arith.constant 0 : i32
      %dma_start3A_108 = tpu.memref_slice %arg13[%dma_start3A_106, %dma_start3A_107] : memref<2048x8xf32, #tpu.memory_space<vmem>> -> memref<128x8xf32, #tpu.memory_space<vmem>>
      %dma_start3A_109 = arith.constant 768 : i32
      %dma_start3A_110 = tpu.memref_slice %arg11[%dma_start3A_109] : memref<2048xi32, #tpu.memory_space<vmem>> -> memref<128xi32, #tpu.memory_space<vmem>>
      %dma_start3A_111 = arith.constant 0 : i32
      %dma_start3A_112 = arith.constant 0 : i32
      %dma_start3A_113 = tpu.memref_slice %arg5[%dma_start3A_111, %dma_start3A_112] : memref<513000x8xf32, #tpu.memory_space<hbm>> -> memref<513000x8xf32, #tpu.memory_space<hbm>>
      tpu.enqueue_indirect_dma source(%dma_start3A_113 : memref<513000x8xf32, #tpu.memory_space<hbm>>) target(%dma_start3A_108 : memref<128x8xf32, #tpu.memory_space<vmem>>) offsets(%dma_start3A_110 : memref<128xi32, #tpu.memory_space<vmem>>) semaphore(%arg15 : memref<!tpu.dma_semaphore, #tpu.memory_space<semaphore_mem>>)
      %dma_start3A_114 = arith.constant 896 : i32
      %dma_start3A_115 = arith.constant 0 : i32
      %dma_start3A_116 = tpu.memref_slice %arg13[%dma_start3A_114, %dma_start3A_115] : memref<2048x8xf32, #tpu.memory_space<vmem>> -> memref<128x8xf32, #tpu.memory_space<vmem>>
      %dma_start3A_117 = arith.constant 896 : i32
      %dma_start3A_118 = tpu.memref_slice %arg11[%dma_start3A_117] : memref<2048xi32, #tpu.memory_space<vmem>> -> memref<128xi32, #tpu.memory_space<vmem>>
      %dma_start3A_119 = arith.constant 0 : i32
      %dma_start3A_120 = arith.constant 0 : i32
      %dma_start3A_121 = tpu.memref_slice %arg5[%dma_start3A_119, %dma_start3A_120] : memref<513000x8xf32, #tpu.memory_space<hbm>> -> memref<513000x8xf32, #tpu.memory_space<hbm>>
      tpu.enqueue_indirect_dma source(%dma_start3A_121 : memref<513000x8xf32, #tpu.memory_space<hbm>>) target(%dma_start3A_116 : memref<128x8xf32, #tpu.memory_space<vmem>>) offsets(%dma_start3A_118 : memref<128xi32, #tpu.memory_space<vmem>>) semaphore(%arg15 : memref<!tpu.dma_semaphore, #tpu.memory_space<semaphore_mem>>)
      %dma_start3A_122 = arith.constant 1024 : i32
      %dma_start3A_123 = arith.constant 0 : i32
      %dma_start3A_124 = tpu.memref_slice %arg13[%dma_start3A_122, %dma_start3A_123] : memref<2048x8xf32, #tpu.memory_space<vmem>> -> memref<128x8xf32, #tpu.memory_space<vmem>>
      %dma_start3A_125 = arith.constant 1024 : i32
      %dma_start3A_126 = tpu.memref_slice %arg11[%dma_start3A_125] : memref<2048xi32, #tpu.memory_space<vmem>> -> memref<128xi32, #tpu.memory_space<vmem>>
      %dma_start3A_127 = arith.constant 0 : i32
      %dma_start3A_128 = arith.constant 0 : i32
      %dma_start3A_129 = tpu.memref_slice %arg5[%dma_start3A_127, %dma_start3A_128] : memref<513000x8xf32, #tpu.memory_space<hbm>> -> memref<513000x8xf32, #tpu.memory_space<hbm>>
      tpu.enqueue_indirect_dma source(%dma_start3A_129 : memref<513000x8xf32, #tpu.memory_space<hbm>>) target(%dma_start3A_124 : memref<128x8xf32, #tpu.memory_space<vmem>>) offsets(%dma_start3A_126 : memref<128xi32, #tpu.memory_space<vmem>>) semaphore(%arg15 : memref<!tpu.dma_semaphore, #tpu.memory_space<semaphore_mem>>)
      %dma_start3A_130 = arith.constant 1152 : i32
      %dma_start3A_131 = arith.constant 0 : i32
      %dma_start3A_132 = tpu.memref_slice %arg13[%dma_start3A_130, %dma_start3A_131] : memref<2048x8xf32, #tpu.memory_space<vmem>> -> memref<128x8xf32, #tpu.memory_space<vmem>>
      %dma_start3A_133 = arith.constant 1152 : i32
      %dma_start3A_134 = tpu.memref_slice %arg11[%dma_start3A_133] : memref<2048xi32, #tpu.memory_space<vmem>> -> memref<128xi32, #tpu.memory_space<vmem>>
      %dma_start3A_135 = arith.constant 0 : i32
      %dma_start3A_136 = arith.constant 0 : i32
      %dma_start3A_137 = tpu.memref_slice %arg5[%dma_start3A_135, %dma_start3A_136] : memref<513000x8xf32, #tpu.memory_space<hbm>> -> memref<513000x8xf32, #tpu.memory_space<hbm>>
      tpu.enqueue_indirect_dma source(%dma_start3A_137 : memref<513000x8xf32, #tpu.memory_space<hbm>>) target(%dma_start3A_132 : memref<128x8xf32, #tpu.memory_space<vmem>>) offsets(%dma_start3A_134 : memref<128xi32, #tpu.memory_space<vmem>>) semaphore(%arg15 : memref<!tpu.dma_semaphore, #tpu.memory_space<semaphore_mem>>)
      %dma_start3A_138 = arith.constant 1280 : i32
      %dma_start3A_139 = arith.constant 0 : i32
      %dma_start3A_140 = tpu.memref_slice %arg13[%dma_start3A_138, %dma_start3A_139] : memref<2048x8xf32, #tpu.memory_space<vmem>> -> memref<128x8xf32, #tpu.memory_space<vmem>>
      %dma_start3A_141 = arith.constant 1280 : i32
      %dma_start3A_142 = tpu.memref_slice %arg11[%dma_start3A_141] : memref<2048xi32, #tpu.memory_space<vmem>> -> memref<128xi32, #tpu.memory_space<vmem>>
      %dma_start3A_143 = arith.constant 0 : i32
      %dma_start3A_144 = arith.constant 0 : i32
      %dma_start3A_145 = tpu.memref_slice %arg5[%dma_start3A_143, %dma_start3A_144] : memref<513000x8xf32, #tpu.memory_space<hbm>> -> memref<513000x8xf32, #tpu.memory_space<hbm>>
      tpu.enqueue_indirect_dma source(%dma_start3A_145 : memref<513000x8xf32, #tpu.memory_space<hbm>>) target(%dma_start3A_140 : memref<128x8xf32, #tpu.memory_space<vmem>>) offsets(%dma_start3A_142 : memref<128xi32, #tpu.memory_space<vmem>>) semaphore(%arg15 : memref<!tpu.dma_semaphore, #tpu.memory_space<semaphore_mem>>)
      %dma_start3A_146 = arith.constant 1408 : i32
      %dma_start3A_147 = arith.constant 0 : i32
      %dma_start3A_148 = tpu.memref_slice %arg13[%dma_start3A_146, %dma_start3A_147] : memref<2048x8xf32, #tpu.memory_space<vmem>> -> memref<128x8xf32, #tpu.memory_space<vmem>>
      %dma_start3A_149 = arith.constant 1408 : i32
      %dma_start3A_150 = tpu.memref_slice %arg11[%dma_start3A_149] : memref<2048xi32, #tpu.memory_space<vmem>> -> memref<128xi32, #tpu.memory_space<vmem>>
      %dma_start3A_151 = arith.constant 0 : i32
      %dma_start3A_152 = arith.constant 0 : i32
      %dma_start3A_153 = tpu.memref_slice %arg5[%dma_start3A_151, %dma_start3A_152] : memref<513000x8xf32, #tpu.memory_space<hbm>> -> memref<513000x8xf32, #tpu.memory_space<hbm>>
      tpu.enqueue_indirect_dma source(%dma_start3A_153 : memref<513000x8xf32, #tpu.memory_space<hbm>>) target(%dma_start3A_148 : memref<128x8xf32, #tpu.memory_space<vmem>>) offsets(%dma_start3A_150 : memref<128xi32, #tpu.memory_space<vmem>>) semaphore(%arg15 : memref<!tpu.dma_semaphore, #tpu.memory_space<semaphore_mem>>)
      %dma_start3A_154 = arith.constant 1536 : i32
      %dma_start3A_155 = arith.constant 0 : i32
      %dma_start3A_156 = tpu.memref_slice %arg13[%dma_start3A_154, %dma_start3A_155] : memref<2048x8xf32, #tpu.memory_space<vmem>> -> memref<128x8xf32, #tpu.memory_space<vmem>>
      %dma_start3A_157 = arith.constant 1536 : i32
      %dma_start3A_158 = tpu.memref_slice %arg11[%dma_start3A_157] : memref<2048xi32, #tpu.memory_space<vmem>> -> memref<128xi32, #tpu.memory_space<vmem>>
      %dma_start3A_159 = arith.constant 0 : i32
      %dma_start3A_160 = arith.constant 0 : i32
      %dma_start3A_161 = tpu.memref_slice %arg5[%dma_start3A_159, %dma_start3A_160] : memref<513000x8xf32, #tpu.memory_space<hbm>> -> memref<513000x8xf32, #tpu.memory_space<hbm>>
      tpu.enqueue_indirect_dma source(%dma_start3A_161 : memref<513000x8xf32, #tpu.memory_space<hbm>>) target(%dma_start3A_156 : memref<128x8xf32, #tpu.memory_space<vmem>>) offsets(%dma_start3A_158 : memref<128xi32, #tpu.memory_space<vmem>>) semaphore(%arg15 : memref<!tpu.dma_semaphore, #tpu.memory_space<semaphore_mem>>)
      %dma_start3A_162 = arith.constant 1664 : i32
      %dma_start3A_163 = arith.constant 0 : i32
      %dma_start3A_164 = tpu.memref_slice %arg13[%dma_start3A_162, %dma_start3A_163] : memref<2048x8xf32, #tpu.memory_space<vmem>> -> memref<128x8xf32, #tpu.memory_space<vmem>>
      %dma_start3A_165 = arith.constant 1664 : i32
      %dma_start3A_166 = tpu.memref_slice %arg11[%dma_start3A_165] : memref<2048xi32, #tpu.memory_space<vmem>> -> memref<128xi32, #tpu.memory_space<vmem>>
      %dma_start3A_167 = arith.constant 0 : i32
      %dma_start3A_168 = arith.constant 0 : i32
      %dma_start3A_169 = tpu.memref_slice %arg5[%dma_start3A_167, %dma_start3A_168] : memref<513000x8xf32, #tpu.memory_space<hbm>> -> memref<513000x8xf32, #tpu.memory_space<hbm>>
      tpu.enqueue_indirect_dma source(%dma_start3A_169 : memref<513000x8xf32, #tpu.memory_space<hbm>>) target(%dma_start3A_164 : memref<128x8xf32, #tpu.memory_space<vmem>>) offsets(%dma_start3A_166 : memref<128xi32, #tpu.memory_space<vmem>>) semaphore(%arg15 : memref<!tpu.dma_semaphore, #tpu.memory_space<semaphore_mem>>)
      %dma_start3A_170 = arith.constant 1792 : i32
      %dma_start3A_171 = arith.constant 0 : i32
      %dma_start3A_172 = tpu.memref_slice %arg13[%dma_start3A_170, %dma_start3A_171] : memref<2048x8xf32, #tpu.memory_space<vmem>> -> memref<128x8xf32, #tpu.memory_space<vmem>>
      %dma_start3A_173 = arith.constant 1792 : i32
      %dma_start3A_174 = tpu.memref_slice %arg11[%dma_start3A_173] : memref<2048xi32, #tpu.memory_space<vmem>> -> memref<128xi32, #tpu.memory_space<vmem>>
      %dma_start3A_175 = arith.constant 0 : i32
      %dma_start3A_176 = arith.constant 0 : i32
      %dma_start3A_177 = tpu.memref_slice %arg5[%dma_start3A_175, %dma_start3A_176] : memref<513000x8xf32, #tpu.memory_space<hbm>> -> memref<513000x8xf32, #tpu.memory_space<hbm>>
      tpu.enqueue_indirect_dma source(%dma_start3A_177 : memref<513000x8xf32, #tpu.memory_space<hbm>>) target(%dma_start3A_172 : memref<128x8xf32, #tpu.memory_space<vmem>>) offsets(%dma_start3A_174 : memref<128xi32, #tpu.memory_space<vmem>>) semaphore(%arg15 : memref<!tpu.dma_semaphore, #tpu.memory_space<semaphore_mem>>)
      %dma_start3A_178 = arith.constant 1920 : i32
      %dma_start3A_179 = arith.constant 0 : i32
      %dma_start3A_180 = tpu.memref_slice %arg13[%dma_start3A_178, %dma_start3A_179] : memref<2048x8xf32, #tpu.memory_space<vmem>> -> memref<128x8xf32, #tpu.memory_space<vmem>>
      %dma_start3A_181 = arith.constant 1920 : i32
      %dma_start3A_182 = tpu.memref_slice %arg11[%dma_start3A_181] : memref<2048xi32, #tpu.memory_space<vmem>> -> memref<128xi32, #tpu.memory_space<vmem>>
      %dma_start3A_183 = arith.constant 0 : i32
      %dma_start3A_184 = arith.constant 0 : i32
      %dma_start3A_185 = tpu.memref_slice %arg5[%dma_start3A_183, %dma_start3A_184] : memref<513000x8xf32, #tpu.memory_space<hbm>> -> memref<513000x8xf32, #tpu.memory_space<hbm>>
      tpu.enqueue_indirect_dma source(%dma_start3A_185 : memref<513000x8xf32, #tpu.memory_space<hbm>>) target(%dma_start3A_180 : memref<128x8xf32, #tpu.memory_space<vmem>>) offsets(%dma_start3A_182 : memref<128xi32, #tpu.memory_space<vmem>>) semaphore(%arg15 : memref<!tpu.dma_semaphore, #tpu.memory_space<semaphore_mem>>)
      %dma_wait3A = arith.constant 0 : i32
      %dma_wait3A_186 = arith.constant 0 : i32
      %dma_wait3A_187 = tpu.memref_slice %arg13[%dma_wait3A, %dma_wait3A_186] : memref<2048x8xf32, #tpu.memory_space<vmem>> -> memref<128x8xf32, #tpu.memory_space<vmem>>
      %dma_wait3A_188 = arith.constant 0 : i32
      %dma_wait3A_189 = tpu.memref_slice %arg11[%dma_wait3A_188] : memref<2048xi32, #tpu.memory_space<vmem>> -> memref<128xi32, #tpu.memory_space<vmem>>
      %dma_wait3A_190 = arith.constant 0 : i32
      %dma_wait3A_191 = arith.constant 0 : i32
      %dma_wait3A_192 = tpu.memref_slice %arg5[%dma_wait3A_190, %dma_wait3A_191] : memref<513000x8xf32, #tpu.memory_space<hbm>> -> memref<513000x8xf32, #tpu.memory_space<hbm>>
      tpu.wait_indirect_dma semaphore(%arg15 : memref<!tpu.dma_semaphore, #tpu.memory_space<semaphore_mem>>) src(%dma_wait3A_192 : memref<513000x8xf32, #tpu.memory_space<hbm>>) dst(%dma_wait3A_187 : memref<128x8xf32, #tpu.memory_space<vmem>>)
      %dma_wait3A_193 = arith.constant 128 : i32
      %dma_wait3A_194 = arith.constant 0 : i32
      %dma_wait3A_195 = tpu.memref_slice %arg13[%dma_wait3A_193, %dma_wait3A_194] : memref<2048x8xf32, #tpu.memory_space<vmem>> -> memref<128x8xf32, #tpu.memory_space<vmem>>
      %dma_wait3A_196 = arith.constant 128 : i32
      %dma_wait3A_197 = tpu.memref_slice %arg11[%dma_wait3A_196] : memref<2048xi32, #tpu.memory_space<vmem>> -> memref<128xi32, #tpu.memory_space<vmem>>
      %dma_wait3A_198 = arith.constant 0 : i32
      %dma_wait3A_199 = arith.constant 0 : i32
      %dma_wait3A_200 = tpu.memref_slice %arg5[%dma_wait3A_198, %dma_wait3A_199] : memref<513000x8xf32, #tpu.memory_space<hbm>> -> memref<513000x8xf32, #tpu.memory_space<hbm>>
      tpu.wait_indirect_dma semaphore(%arg15 : memref<!tpu.dma_semaphore, #tpu.memory_space<semaphore_mem>>) src(%dma_wait3A_200 : memref<513000x8xf32, #tpu.memory_space<hbm>>) dst(%dma_wait3A_195 : memref<128x8xf32, #tpu.memory_space<vmem>>)
      %dma_wait3A_201 = arith.constant 256 : i32
      %dma_wait3A_202 = arith.constant 0 : i32
      %dma_wait3A_203 = tpu.memref_slice %arg13[%dma_wait3A_201, %dma_wait3A_202] : memref<2048x8xf32, #tpu.memory_space<vmem>> -> memref<128x8xf32, #tpu.memory_space<vmem>>
      %dma_wait3A_204 = arith.constant 256 : i32
      %dma_wait3A_205 = tpu.memref_slice %arg11[%dma_wait3A_204] : memref<2048xi32, #tpu.memory_space<vmem>> -> memref<128xi32, #tpu.memory_space<vmem>>
      %dma_wait3A_206 = arith.constant 0 : i32
      %dma_wait3A_207 = arith.constant 0 : i32
      %dma_wait3A_208 = tpu.memref_slice %arg5[%dma_wait3A_206, %dma_wait3A_207] : memref<513000x8xf32, #tpu.memory_space<hbm>> -> memref<513000x8xf32, #tpu.memory_space<hbm>>
      tpu.wait_indirect_dma semaphore(%arg15 : memref<!tpu.dma_semaphore, #tpu.memory_space<semaphore_mem>>) src(%dma_wait3A_208 : memref<513000x8xf32, #tpu.memory_space<hbm>>) dst(%dma_wait3A_203 : memref<128x8xf32, #tpu.memory_space<vmem>>)
      %dma_wait3A_209 = arith.constant 384 : i32
      %dma_wait3A_210 = arith.constant 0 : i32
      %dma_wait3A_211 = tpu.memref_slice %arg13[%dma_wait3A_209, %dma_wait3A_210] : memref<2048x8xf32, #tpu.memory_space<vmem>> -> memref<128x8xf32, #tpu.memory_space<vmem>>
      %dma_wait3A_212 = arith.constant 384 : i32
      %dma_wait3A_213 = tpu.memref_slice %arg11[%dma_wait3A_212] : memref<2048xi32, #tpu.memory_space<vmem>> -> memref<128xi32, #tpu.memory_space<vmem>>
      %dma_wait3A_214 = arith.constant 0 : i32
      %dma_wait3A_215 = arith.constant 0 : i32
      %dma_wait3A_216 = tpu.memref_slice %arg5[%dma_wait3A_214, %dma_wait3A_215] : memref<513000x8xf32, #tpu.memory_space<hbm>> -> memref<513000x8xf32, #tpu.memory_space<hbm>>
      tpu.wait_indirect_dma semaphore(%arg15 : memref<!tpu.dma_semaphore, #tpu.memory_space<semaphore_mem>>) src(%dma_wait3A_216 : memref<513000x8xf32, #tpu.memory_space<hbm>>) dst(%dma_wait3A_211 : memref<128x8xf32, #tpu.memory_space<vmem>>)
      %dma_wait3A_217 = arith.constant 512 : i32
      %dma_wait3A_218 = arith.constant 0 : i32
      %dma_wait3A_219 = tpu.memref_slice %arg13[%dma_wait3A_217, %dma_wait3A_218] : memref<2048x8xf32, #tpu.memory_space<vmem>> -> memref<128x8xf32, #tpu.memory_space<vmem>>
      %dma_wait3A_220 = arith.constant 512 : i32
      %dma_wait3A_221 = tpu.memref_slice %arg11[%dma_wait3A_220] : memref<2048xi32, #tpu.memory_space<vmem>> -> memref<128xi32, #tpu.memory_space<vmem>>
      %dma_wait3A_222 = arith.constant 0 : i32
      %dma_wait3A_223 = arith.constant 0 : i32
      %dma_wait3A_224 = tpu.memref_slice %arg5[%dma_wait3A_222, %dma_wait3A_223] : memref<513000x8xf32, #tpu.memory_space<hbm>> -> memref<513000x8xf32, #tpu.memory_space<hbm>>
      tpu.wait_indirect_dma semaphore(%arg15 : memref<!tpu.dma_semaphore, #tpu.memory_space<semaphore_mem>>) src(%dma_wait3A_224 : memref<513000x8xf32, #tpu.memory_space<hbm>>) dst(%dma_wait3A_219 : memref<128x8xf32, #tpu.memory_space<vmem>>)
      %dma_wait3A_225 = arith.constant 640 : i32
      %dma_wait3A_226 = arith.constant 0 : i32
      %dma_wait3A_227 = tpu.memref_slice %arg13[%dma_wait3A_225, %dma_wait3A_226] : memref<2048x8xf32, #tpu.memory_space<vmem>> -> memref<128x8xf32, #tpu.memory_space<vmem>>
      %dma_wait3A_228 = arith.constant 640 : i32
      %dma_wait3A_229 = tpu.memref_slice %arg11[%dma_wait3A_228] : memref<2048xi32, #tpu.memory_space<vmem>> -> memref<128xi32, #tpu.memory_space<vmem>>
      %dma_wait3A_230 = arith.constant 0 : i32
      %dma_wait3A_231 = arith.constant 0 : i32
      %dma_wait3A_232 = tpu.memref_slice %arg5[%dma_wait3A_230, %dma_wait3A_231] : memref<513000x8xf32, #tpu.memory_space<hbm>> -> memref<513000x8xf32, #tpu.memory_space<hbm>>
      tpu.wait_indirect_dma semaphore(%arg15 : memref<!tpu.dma_semaphore, #tpu.memory_space<semaphore_mem>>) src(%dma_wait3A_232 : memref<513000x8xf32, #tpu.memory_space<hbm>>) dst(%dma_wait3A_227 : memref<128x8xf32, #tpu.memory_space<vmem>>)
      %dma_wait3A_233 = arith.constant 768 : i32
      %dma_wait3A_234 = arith.constant 0 : i32
      %dma_wait3A_235 = tpu.memref_slice %arg13[%dma_wait3A_233, %dma_wait3A_234] : memref<2048x8xf32, #tpu.memory_space<vmem>> -> memref<128x8xf32, #tpu.memory_space<vmem>>
      %dma_wait3A_236 = arith.constant 768 : i32
      %dma_wait3A_237 = tpu.memref_slice %arg11[%dma_wait3A_236] : memref<2048xi32, #tpu.memory_space<vmem>> -> memref<128xi32, #tpu.memory_space<vmem>>
      %dma_wait3A_238 = arith.constant 0 : i32
      %dma_wait3A_239 = arith.constant 0 : i32
      %dma_wait3A_240 = tpu.memref_slice %arg5[%dma_wait3A_238, %dma_wait3A_239] : memref<513000x8xf32, #tpu.memory_space<hbm>> -> memref<513000x8xf32, #tpu.memory_space<hbm>>
      tpu.wait_indirect_dma semaphore(%arg15 : memref<!tpu.dma_semaphore, #tpu.memory_space<semaphore_mem>>) src(%dma_wait3A_240 : memref<513000x8xf32, #tpu.memory_space<hbm>>) dst(%dma_wait3A_235 : memref<128x8xf32, #tpu.memory_space<vmem>>)
      %dma_wait3A_241 = arith.constant 896 : i32
      %dma_wait3A_242 = arith.constant 0 : i32
      %dma_wait3A_243 = tpu.memref_slice %arg13[%dma_wait3A_241, %dma_wait3A_242] : memref<2048x8xf32, #tpu.memory_space<vmem>> -> memref<128x8xf32, #tpu.memory_space<vmem>>
      %dma_wait3A_244 = arith.constant 896 : i32
      %dma_wait3A_245 = tpu.memref_slice %arg11[%dma_wait3A_244] : memref<2048xi32, #tpu.memory_space<vmem>> -> memref<128xi32, #tpu.memory_space<vmem>>
      %dma_wait3A_246 = arith.constant 0 : i32
      %dma_wait3A_247 = arith.constant 0 : i32
      %dma_wait3A_248 = tpu.memref_slice %arg5[%dma_wait3A_246, %dma_wait3A_247] : memref<513000x8xf32, #tpu.memory_space<hbm>> -> memref<513000x8xf32, #tpu.memory_space<hbm>>
      tpu.wait_indirect_dma semaphore(%arg15 : memref<!tpu.dma_semaphore, #tpu.memory_space<semaphore_mem>>) src(%dma_wait3A_248 : memref<513000x8xf32, #tpu.memory_space<hbm>>) dst(%dma_wait3A_243 : memref<128x8xf32, #tpu.memory_space<vmem>>)
      %dma_wait3A_249 = arith.constant 1024 : i32
      %dma_wait3A_250 = arith.constant 0 : i32
      %dma_wait3A_251 = tpu.memref_slice %arg13[%dma_wait3A_249, %dma_wait3A_250] : memref<2048x8xf32, #tpu.memory_space<vmem>> -> memref<128x8xf32, #tpu.memory_space<vmem>>
      %dma_wait3A_252 = arith.constant 1024 : i32
      %dma_wait3A_253 = tpu.memref_slice %arg11[%dma_wait3A_252] : memref<2048xi32, #tpu.memory_space<vmem>> -> memref<128xi32, #tpu.memory_space<vmem>>
      %dma_wait3A_254 = arith.constant 0 : i32
      %dma_wait3A_255 = arith.constant 0 : i32
      %dma_wait3A_256 = tpu.memref_slice %arg5[%dma_wait3A_254, %dma_wait3A_255] : memref<513000x8xf32, #tpu.memory_space<hbm>> -> memref<513000x8xf32, #tpu.memory_space<hbm>>
      tpu.wait_indirect_dma semaphore(%arg15 : memref<!tpu.dma_semaphore, #tpu.memory_space<semaphore_mem>>) src(%dma_wait3A_256 : memref<513000x8xf32, #tpu.memory_space<hbm>>) dst(%dma_wait3A_251 : memref<128x8xf32, #tpu.memory_space<vmem>>)
      %dma_wait3A_257 = arith.constant 1152 : i32
      %dma_wait3A_258 = arith.constant 0 : i32
      %dma_wait3A_259 = tpu.memref_slice %arg13[%dma_wait3A_257, %dma_wait3A_258] : memref<2048x8xf32, #tpu.memory_space<vmem>> -> memref<128x8xf32, #tpu.memory_space<vmem>>
      %dma_wait3A_260 = arith.constant 1152 : i32
      %dma_wait3A_261 = tpu.memref_slice %arg11[%dma_wait3A_260] : memref<2048xi32, #tpu.memory_space<vmem>> -> memref<128xi32, #tpu.memory_space<vmem>>
      %dma_wait3A_262 = arith.constant 0 : i32
      %dma_wait3A_263 = arith.constant 0 : i32
      %dma_wait3A_264 = tpu.memref_slice %arg5[%dma_wait3A_262, %dma_wait3A_263] : memref<513000x8xf32, #tpu.memory_space<hbm>> -> memref<513000x8xf32, #tpu.memory_space<hbm>>
      tpu.wait_indirect_dma semaphore(%arg15 : memref<!tpu.dma_semaphore, #tpu.memory_space<semaphore_mem>>) src(%dma_wait3A_264 : memref<513000x8xf32, #tpu.memory_space<hbm>>) dst(%dma_wait3A_259 : memref<128x8xf32, #tpu.memory_space<vmem>>)
      %dma_wait3A_265 = arith.constant 1280 : i32
      %dma_wait3A_266 = arith.constant 0 : i32
      %dma_wait3A_267 = tpu.memref_slice %arg13[%dma_wait3A_265, %dma_wait3A_266] : memref<2048x8xf32, #tpu.memory_space<vmem>> -> memref<128x8xf32, #tpu.memory_space<vmem>>
      %dma_wait3A_268 = arith.constant 1280 : i32
      %dma_wait3A_269 = tpu.memref_slice %arg11[%dma_wait3A_268] : memref<2048xi32, #tpu.memory_space<vmem>> -> memref<128xi32, #tpu.memory_space<vmem>>
      %dma_wait3A_270 = arith.constant 0 : i32
      %dma_wait3A_271 = arith.constant 0 : i32
      %dma_wait3A_272 = tpu.memref_slice %arg5[%dma_wait3A_270, %dma_wait3A_271] : memref<513000x8xf32, #tpu.memory_space<hbm>> -> memref<513000x8xf32, #tpu.memory_space<hbm>>
      tpu.wait_indirect_dma semaphore(%arg15 : memref<!tpu.dma_semaphore, #tpu.memory_space<semaphore_mem>>) src(%dma_wait3A_272 : memref<513000x8xf32, #tpu.memory_space<hbm>>) dst(%dma_wait3A_267 : memref<128x8xf32, #tpu.memory_space<vmem>>)
      %dma_wait3A_273 = arith.constant 1408 : i32
      %dma_wait3A_274 = arith.constant 0 : i32
      %dma_wait3A_275 = tpu.memref_slice %arg13[%dma_wait3A_273, %dma_wait3A_274] : memref<2048x8xf32, #tpu.memory_space<vmem>> -> memref<128x8xf32, #tpu.memory_space<vmem>>
      %dma_wait3A_276 = arith.constant 1408 : i32
      %dma_wait3A_277 = tpu.memref_slice %arg11[%dma_wait3A_276] : memref<2048xi32, #tpu.memory_space<vmem>> -> memref<128xi32, #tpu.memory_space<vmem>>
      %dma_wait3A_278 = arith.constant 0 : i32
      %dma_wait3A_279 = arith.constant 0 : i32
      %dma_wait3A_280 = tpu.memref_slice %arg5[%dma_wait3A_278, %dma_wait3A_279] : memref<513000x8xf32, #tpu.memory_space<hbm>> -> memref<513000x8xf32, #tpu.memory_space<hbm>>
      tpu.wait_indirect_dma semaphore(%arg15 : memref<!tpu.dma_semaphore, #tpu.memory_space<semaphore_mem>>) src(%dma_wait3A_280 : memref<513000x8xf32, #tpu.memory_space<hbm>>) dst(%dma_wait3A_275 : memref<128x8xf32, #tpu.memory_space<vmem>>)
      %dma_wait3A_281 = arith.constant 1536 : i32
      %dma_wait3A_282 = arith.constant 0 : i32
      %dma_wait3A_283 = tpu.memref_slice %arg13[%dma_wait3A_281, %dma_wait3A_282] : memref<2048x8xf32, #tpu.memory_space<vmem>> -> memref<128x8xf32, #tpu.memory_space<vmem>>
      %dma_wait3A_284 = arith.constant 1536 : i32
      %dma_wait3A_285 = tpu.memref_slice %arg11[%dma_wait3A_284] : memref<2048xi32, #tpu.memory_space<vmem>> -> memref<128xi32, #tpu.memory_space<vmem>>
      %dma_wait3A_286 = arith.constant 0 : i32
      %dma_wait3A_287 = arith.constant 0 : i32
      %dma_wait3A_288 = tpu.memref_slice %arg5[%dma_wait3A_286, %dma_wait3A_287] : memref<513000x8xf32, #tpu.memory_space<hbm>> -> memref<513000x8xf32, #tpu.memory_space<hbm>>
      tpu.wait_indirect_dma semaphore(%arg15 : memref<!tpu.dma_semaphore, #tpu.memory_space<semaphore_mem>>) src(%dma_wait3A_288 : memref<513000x8xf32, #tpu.memory_space<hbm>>) dst(%dma_wait3A_283 : memref<128x8xf32, #tpu.memory_space<vmem>>)
      %dma_wait3A_289 = arith.constant 1664 : i32
      %dma_wait3A_290 = arith.constant 0 : i32
      %dma_wait3A_291 = tpu.memref_slice %arg13[%dma_wait3A_289, %dma_wait3A_290] : memref<2048x8xf32, #tpu.memory_space<vmem>> -> memref<128x8xf32, #tpu.memory_space<vmem>>
      %dma_wait3A_292 = arith.constant 1664 : i32
      %dma_wait3A_293 = tpu.memref_slice %arg11[%dma_wait3A_292] : memref<2048xi32, #tpu.memory_space<vmem>> -> memref<128xi32, #tpu.memory_space<vmem>>
      %dma_wait3A_294 = arith.constant 0 : i32
      %dma_wait3A_295 = arith.constant 0 : i32
      %dma_wait3A_296 = tpu.memref_slice %arg5[%dma_wait3A_294, %dma_wait3A_295] : memref<513000x8xf32, #tpu.memory_space<hbm>> -> memref<513000x8xf32, #tpu.memory_space<hbm>>
      tpu.wait_indirect_dma semaphore(%arg15 : memref<!tpu.dma_semaphore, #tpu.memory_space<semaphore_mem>>) src(%dma_wait3A_296 : memref<513000x8xf32, #tpu.memory_space<hbm>>) dst(%dma_wait3A_291 : memref<128x8xf32, #tpu.memory_space<vmem>>)
      %dma_wait3A_297 = arith.constant 1792 : i32
      %dma_wait3A_298 = arith.constant 0 : i32
      %dma_wait3A_299 = tpu.memref_slice %arg13[%dma_wait3A_297, %dma_wait3A_298] : memref<2048x8xf32, #tpu.memory_space<vmem>> -> memref<128x8xf32, #tpu.memory_space<vmem>>
      %dma_wait3A_300 = arith.constant 1792 : i32
      %dma_wait3A_301 = tpu.memref_slice %arg11[%dma_wait3A_300] : memref<2048xi32, #tpu.memory_space<vmem>> -> memref<128xi32, #tpu.memory_space<vmem>>
      %dma_wait3A_302 = arith.constant 0 : i32
      %dma_wait3A_303 = arith.constant 0 : i32
      %dma_wait3A_304 = tpu.memref_slice %arg5[%dma_wait3A_302, %dma_wait3A_303] : memref<513000x8xf32, #tpu.memory_space<hbm>> -> memref<513000x8xf32, #tpu.memory_space<hbm>>
      tpu.wait_indirect_dma semaphore(%arg15 : memref<!tpu.dma_semaphore, #tpu.memory_space<semaphore_mem>>) src(%dma_wait3A_304 : memref<513000x8xf32, #tpu.memory_space<hbm>>) dst(%dma_wait3A_299 : memref<128x8xf32, #tpu.memory_space<vmem>>)
      %dma_wait3A_305 = arith.constant 1920 : i32
      %dma_wait3A_306 = arith.constant 0 : i32
      %dma_wait3A_307 = tpu.memref_slice %arg13[%dma_wait3A_305, %dma_wait3A_306] : memref<2048x8xf32, #tpu.memory_space<vmem>> -> memref<128x8xf32, #tpu.memory_space<vmem>>
      %dma_wait3A_308 = arith.constant 1920 : i32
      %dma_wait3A_309 = tpu.memref_slice %arg11[%dma_wait3A_308] : memref<2048xi32, #tpu.memory_space<vmem>> -> memref<128xi32, #tpu.memory_space<vmem>>
      %dma_wait3A_310 = arith.constant 0 : i32
      %dma_wait3A_311 = arith.constant 0 : i32
      %dma_wait3A_312 = tpu.memref_slice %arg5[%dma_wait3A_310, %dma_wait3A_311] : memref<513000x8xf32, #tpu.memory_space<hbm>> -> memref<513000x8xf32, #tpu.memory_space<hbm>>
      tpu.wait_indirect_dma semaphore(%arg15 : memref<!tpu.dma_semaphore, #tpu.memory_space<semaphore_mem>>) src(%dma_wait3A_312 : memref<513000x8xf32, #tpu.memory_space<hbm>>) dst(%dma_wait3A_307 : memref<128x8xf32, #tpu.memory_space<vmem>>)
      %scan3A_313 = arith.constant 0 : i32
      %scan3A_314 = arith.constant 0 : i32
      %scan3A_315 = arith.constant 1024 : i32
      %scan3A_316 = arith.addi %scan3A_314, %scan3A_315 : i32
      %scan3A_317 = arith.constant 1 : i32
      scf.for %scan3A_319 = %scan3A_314 to %scan3A_316 step %scan3A_317  : i32 {
        %mul3A_320 = arith.constant 2 : i32
        %mul3A_321 = arith.muli %scan3A_319, %mul3A_320 : i32
        %add3A_322 = vector.broadcast %mul3A_321 : i32 to vector<16xi32>
        %add3A_323 = arith.addi %shift_right_arithmetic3A_4, %add3A_322 : vector<16xi32>
        %gather3A = tpu.vector_load_idx %arg10[%add3A_323] : memref<2048xi32, #tpu.memory_space<vmem>>[vector<16xi32>], vector<16xi32>,
        %gather3A_324 = tpu.vector_load_idx %arg12[%add3A_323] : memref<2048xf32, #tpu.memory_space<vmem>>[vector<16xi32>], vector<16xf32>,
        %gather3A_325 = tpu.vector_load_idx %arg13[%add3A_323, %and3A_2] : memref<2048x8xf32, #tpu.memory_space<vmem>>[vector<16xi32>, vector<16xi32>], vector<16xf32>,
        %mul3A_326 = arith.mulf %gather3A_325, %gather3A_324 : vector<16xf32>
        %sub3A = vector.broadcast %mul3A_12 : i32 to vector<16xi32>
        %sub3A_327 = arith.subi %gather3A, %sub3A : vector<16xi32>
        %mul3A_328 = arith.constant 8 : i32
        %mul3A_329 = vector.broadcast %mul3A_328 : i32 to vector<16xi32>
        %mul3A_330 = arith.muli %sub3A_327, %mul3A_329 : vector<16xi32>
        %add3A_331 = arith.addi %mul3A_330, %add3A_8 : vector<16xi32>
        %ge3A = vector.broadcast %mul3A_12 : i32 to vector<16xi32>
        %ge3A_332 = arith.cmpi sge, %gather3A, %ge3A : vector<16xi32>
        %lt3A_333 = vector.broadcast %add3A_14 : i32 to vector<16xi32>
        %lt3A_334 = arith.cmpi slt, %gather3A, %lt3A_333 : vector<16xi32>
        %and3A_335 = arith.andi %ge3A_332, %lt3A_334 : vector<16xi1>
        %and3A_336 = arith.andi %and3A_335, %lt3A_10 : vector<16xi1>
        tpu.vector_store_idx %arg14[%add3A_331], %mul3A_326 masked %and3A_336 {add = true} : memref<65536xf32, #tpu.memory_space<vmem>>[vector<16xi32>], vector<16xf32>, vector<16xi1>
      }
      %scan3A_318 = arith.constant 1024 : i32
    }
    %mul3A_36 = arith.constant 8 : i32
    %mul3A_37 = vector.broadcast %mul3A_36 : i32 to vector<16xi32>
    %mul3A_38 = arith.muli %shift_right_arithmetic3A_4, %mul3A_37 : vector<16xi32>
    %add3A_39 = arith.constant 5 : i32
    %add3A_40 = vector.broadcast %add3A_39 : i32 to vector<16xi32>
    %add3A_41 = arith.addi %mul3A_38, %add3A_40 : vector<16xi32>
    %scan3A_42 = arith.constant 0 : i32
    %scan3A_43 = arith.constant 0 : i32
    %scan3A_44 = arith.constant 2048 : i32
    %scan3A_45 = arith.addi %scan3A_43, %scan3A_44 : i32
    %scan3A_46 = arith.constant 1 : i32
    scf.for %scan3A_56 = %scan3A_43 to %scan3A_45 step %scan3A_46  : i32 {
      %mul3A_57 = arith.constant 16 : i32
      %mul3A_58 = arith.muli %scan3A_56, %mul3A_57 : i32
      %get3A_59 = arith.index_cast %mul3A_58 : i32 to index
      %get3A_60 = tpu.vector_load %arg14[%get3A_59] {strides = array<i32>} : memref<65536xf32, #tpu.memory_space<vmem>>, vector<16xf32>,
      %add3A_61 = arith.constant 32768 : i32
      %add3A_62 = arith.addi %add3A_61, %mul3A_58 : i32
      %get3A_63 = arith.index_cast %add3A_62 : i32 to index
      %get3A_64 = tpu.vector_load %arg14[%get3A_63] {strides = array<i32>} : memref<65536xf32, #tpu.memory_space<vmem>>, vector<16xf32>,
      %add3A_65 = arith.addf %get3A_60, %get3A_64 : vector<16xf32>
      %swap3A = arith.index_cast %mul3A_58 : i32 to index
      %swap3A_66 = tpu.vector_load %arg14[%swap3A] {strides = array<i32>} : memref<65536xf32, #tpu.memory_space<vmem>>, vector<16xf32>,
      tpu.vector_store %arg14[%swap3A], %add3A_65 {strides = array<i32>} : memref<65536xf32, #tpu.memory_space<vmem>>, vector<16xf32>,
    }
    %scan3A_47 = arith.constant 2048 : i32
    %scan3A_48 = arith.constant 0 : i32
    %scan3A_49 = arith.constant 0 : i32
    %scan3A_50 = arith.constant 2048 : i32
    %scan3A_51 = arith.addi %scan3A_49, %scan3A_50 : i32
    %scan3A_52 = arith.constant 1 : i32
    scf.for %scan3A_56 = %scan3A_49 to %scan3A_51 step %scan3A_52  : i32 {
      %mul3A_57 = arith.constant 16 : i32
      %mul3A_58 = arith.muli %scan3A_56, %mul3A_57 : i32
      %get3A_59 = arith.index_cast %mul3A_58 : i32 to index
      %get3A_60 = tpu.vector_load %arg14[%get3A_59] {strides = array<i32>} : memref<65536xf32, #tpu.memory_space<vmem>>, vector<16xf32>,
      %add3A_61 = vector.broadcast %mul3A_58 : i32 to vector<16xi32>
      %add3A_62 = arith.addi %add3A_61, %add3A_41 : vector<16xi32>
      %gather3A = tpu.vector_load_idx %arg14[%add3A_62] : memref<65536xf32, #tpu.memory_space<vmem>>[vector<16xi32>], vector<16xf32>,
      %div3A = arith.divf %get3A_60, %gather3A : vector<16xf32>
      %swap3A = arith.index_cast %mul3A_58 : i32 to index
      %swap3A_63 = tpu.vector_load %arg14[%swap3A] {strides = array<i32>} : memref<65536xf32, #tpu.memory_space<vmem>>, vector<16xf32>,
      tpu.vector_store %arg14[%swap3A], %div3A {strides = array<i32>} : memref<65536xf32, #tpu.memory_space<vmem>>, vector<16xf32>,
    }
    %scan3A_53 = arith.constant 2048 : i32
    %mul3A_54 = arith.constant 32768 : i32
    %mul3A_55 = arith.muli %add3A, %mul3A_54 : i32
    "tpu.region"() ({
      %run_scoped3A = tpu.sem_alloc : memref<!tpu.dma_semaphore, #tpu.memory_space<semaphore_mem>>
      %dma_start3A = arith.constant 0 : i32
      %dma_start3A_56 = tpu.memref_slice %arg14[%dma_start3A] : memref<65536xf32, #tpu.memory_space<vmem>> -> memref<32768xf32, #tpu.memory_space<vmem>>
      %dma_start3A_57 = tpu.memref_slice %arg8[%mul3A_55] : memref<1048576xf32, #tpu.memory_space<hbm>> -> memref<32768xf32, #tpu.memory_space<hbm>>
      %dma_start3A_58 = tpu.memref_slice %arg8[%mul3A_55] : memref<1048576xf32, #tpu.memory_space<hbm>> -> memref<32768xf32, #tpu.memory_space<hbm>>
      %dma_start3A_59 = arith.constant 0 : i32
      %dma_start3A_60 = tpu.memref_slice %arg14[%dma_start3A_59] : memref<65536xf32, #tpu.memory_space<vmem>> -> memref<32768xf32, #tpu.memory_space<vmem>>
      tpu.enqueue_dma source(%dma_start3A_60 : memref<32768xf32, #tpu.memory_space<vmem>>) target(%dma_start3A_58 : memref<32768xf32, #tpu.memory_space<hbm>>) target_semaphore(%run_scoped3A : memref<!tpu.dma_semaphore, #tpu.memory_space<semaphore_mem>>)
      %dma_wait3A = arith.constant 0 : i32
      %dma_wait3A_61 = tpu.memref_slice %arg14[%dma_wait3A] : memref<65536xf32, #tpu.memory_space<vmem>> -> memref<32768xf32, #tpu.memory_space<vmem>>
      %dma_wait3A_62 = tpu.memref_slice %arg8[%mul3A_55] : memref<1048576xf32, #tpu.memory_space<hbm>> -> memref<32768xf32, #tpu.memory_space<hbm>>
      %dma_wait3A_63 = tpu.memref_slice %arg8[%mul3A_55] : memref<1048576xf32, #tpu.memory_space<hbm>> -> memref<32768xf32, #tpu.memory_space<hbm>>
      %dma_wait3A_64 = arith.constant 0 : i32
      %dma_wait3A_65 = tpu.memref_slice %arg14[%dma_wait3A_64] : memref<65536xf32, #tpu.memory_space<vmem>> -> memref<32768xf32, #tpu.memory_space<vmem>>
      tpu.wait_dma2 semaphore(%run_scoped3A : memref<!tpu.dma_semaphore, #tpu.memory_space<semaphore_mem>>) src(%dma_wait3A_65 : memref<32768xf32, #tpu.memory_space<vmem>>) dst(%dma_wait3A_63 : memref<32768xf32, #tpu.memory_space<hbm>>)
      tpu.yield
    }) : () -> ()
    return
  }
}

</mosaic_0001>

<sc_bundles>
// kernel: kernel.3.cloned.1.call-start
scs
__scs_entry_jumppad:
0x0: {  	(pc) =	sbr.rel $0x88, $3  }
0x1: {  	(tag) =	ssettag $0x0;
	lr =	simm.s32 $0x1  }
0x2: {  	[smem:$0x3F9D] =	sst lr;
	_ =	strace $0xD0000000  }
0x3: {  	_ = 	snop  }
0x4: {  	_ = 	snop  }
0x5: {  	_ = 	snop  }
0x6: {  	_ = 	snop  }
0x7: {  	_ = 	snop  }
__scs_overlays_trampoline_lowered:
0x8: {  	[smem:$0x3FAC] =	sst s0  }
0x9: {  	[smem:$0x3FAD] =	sst s1  }
0xa: {  	[smem:$0x3FAE] =	sst s2  }
0xb: {  	[smem:$0x3FAF] =	sst s3  }
0xc: {  	[smem:$0x3FB0] =	sst s4  }
0xd: {  	[smem:$0x3FB1] =	sst s5  }
0xe: {  	[smem:$0x3FB2] =	sst s6  }
0xf: {  	[smem:$0x3FB3] =	sst s7  }
0x10: {  	[smem:$0x3FB4] =	sst s8  }
0x11: {  	[smem:$0x3FB5] =	sst s9;
	s0 =	simm.s32 @!p0 $0x0  }
0x12: {  	s1 =	sld [smem:$0x3F9B];
	s0 =	simm.s32 @p0 $0x1  }
0x13: {  	[smem:$0x3FB6] =	sst s0;
	s0 =	simm.s32 @!p1 $0x0  }
0x14: {  	s2 =	sld [smem:$0x3F9A];
	s0 =	simm.s32 @p1 $0x1  }
0x15: {  	[smem:$0x3FB7] =	sst s0;
	s0 =	simm.s32 @!p2 $0x0  }
0x16: {  	s3 =	sld [smem:$0x3FDB];
	s0 =	simm.s32 @p2 $0x1  }
0x17: {  	s4 =	simm.s32 $0x1BF5;
	[smem:$0x3FB9] =	sst s0  }
0x18: {  	s0 =	sld [smem:$0x3F9C];
	_ =	swait.ge [sflag:s4], $0x0  }
0x19: {  	s7 =	sld [smem:$0x3F9D]  }
0x1a: {  	s8 =	sadd.s32 $0xFFFFE003, lr  }
0x1b: {  	s9 =	sadd.s32 $0xFFFFFEF7, lr;
	s5 =	simm.s32 $0xFFFFFFFF;
	p2 =	slt.u32 s8, $0xFFFFF086  }
0x1c: {  	p1 =	slt.u32 s9, $0xF7A;
	s5 =	simm.s32 @!p2 $0x0  }
0x1d: {  	s5 =	simm.s32 @p1 $0x1;
	p0 =	seq.s32 s7, s2  }
0x1e: {  	s7 =	smul.u32 @!p0 $0xF7A, s2;
	p2 =	seq.s32 @!p0 s5, $0x0  }
0x1f: {  	s9 =	smul.u32 $0xF7A, s1;
	s8 =	simm.s32 @!p0 $0x1BF5;
	p2 =	por !p2, p0  }
0x20: {  	[sflag:s8] =	ssyncset.s32 @!p0 $0xFFFFF086;
	s6 =	sadd.s32 @!p0 s3, s7;
	s7 =	simm.s32 @!p0 $0x108  }
0x21: {  	s3 =	sadd.s32 s3, s9;
	s6 =	sadd.s32 @!p0 $0x88, s6;
	s7 =	simm.s32 @p2 $0x1082  }
0x22: {  	[simem:s7], [sflag:s8] =	dma.local @!p0 [hbm:s6], $0xF7A  }
0x23: {  	s9 =	sor.u32 $0xD0000000, s2;
	s6 =	simm.s32 $0x108;
	_ =	swait.ge @!p0 [sflag:s8], $0x0  }
0x24: {  	s3 =	sadd.s32 $0x88, s3;
	s6 =	simm.s32 @!p1 $0x1082;
	[sflag:s4] =	ssyncset.s32 $0xFFFFF086  }
0x25: {  	[simem:s6], [sflag:s4] =	dma.local [hbm:s3], $0xF7A  }
0x26: {  	[smem:$0x3F9D] =	sst s1;
	(tag) =	ssettag s2;
	_ =	strace s9  }
0x27: {  	s1 =	sld [smem:$0x3FAD]  }
0x28: {  	s2 =	sld [smem:$0x3FAE]  }
0x29: {  	s4 =	sld [smem:$0x3FB0]  }
0x2a: {  	p0 =	seq.s32 s5, $0x0;
	s5 =	sld [smem:$0x3FB1]  }
0x2b: {  	s6 =	sld [smem:$0x3FB2]  }
0x2c: {  	s7 =	sld [smem:$0x3FB3]  }
0x2d: {  	s3 =	simm.s32 $0x108;
	s8 =	sld [smem:$0x3FB4]  }
0x2e: {  	s3 =	simm.s32 @!p0 $0x1082;
	s9 =	sld [smem:$0x3FB5]  }
0x2f: {  	lr =	sadd.s32 s0, s3;
	s0 =	sld [smem:$0x3FAC]  }
0x30: {  	s3 =	sld [smem:$0x3FAF]  }
0x31: {  	[smem:$0x3FB8] =	sst s10  }
0x32: {  	s10 =	sld [smem:$0x3FB6];
	_ =	sdelay $0x3  }
0x33: {  	p0 =	seq.s32 s10, $0x1;
	s10 =	sld [smem:$0x3FB8];
	_ =	sdelay $0x3  }
0x34: {  	[smem:$0x3FB8] =	sst s10  }
0x35: {  	s10 =	sld [smem:$0x3FB7];
	_ =	sdelay $0x3  }
0x36: {  	p1 =	seq.s32 s10, $0x1;
	s10 =	sld [smem:$0x3FB8];
	_ =	sdelay $0x3  }
0x37: {  	[smem:$0x3FB8] =	sst s10  }
0x38: {  	s10 =	sld [smem:$0x3FB9]  }
0x39: {  	_ = 	snop;
	(pc) =	sbr.ind lr, $3  }
0x3a: {  	_ = 	snop  }
0x3b: {  	_ = 	snop  }
0x3c: {  	p2 =	seq.s32 s10, $0x1;
	s10 =	sld [smem:$0x3FB8]  }
0x3d: {  	_ =	shalt  }
0x3e: {  	_ =	shalt  }
0x3f: {  	_ =	shalt  }
0x40: {  	_ =	shalt  }
0x41: {  	_ =	shalt  }
0x42: {  	_ =	shalt  }
0x43: {  	_ =	shalt  }
0x44: {  	_ =	shalt  }
0x45: {  	_ =	shalt  }
0x46: {  	_ =	shalt  }
0x47: {  	_ =	shalt  }
0x48: {  	_ =	shalt  }
0x49: {  	_ =	shalt  }
0x4a: {  	_ =	shalt  }
0x4b: {  	_ =	shalt  }
0x4c: {  	_ =	shalt  }
0x4d: {  	_ =	shalt  }
0x4e: {  	_ =	shalt  }
0x4f: {  	_ =	shalt  }
0x50: {  	_ =	shalt  }
0x51: {  	_ =	shalt  }
0x52: {  	_ =	shalt  }
0x53: {  	_ =	shalt  }
0x54: {  	_ =	shalt  }
0x55: {  	_ =	shalt  }
0x56: {  	_ =	shalt  }
0x57: {  	_ =	shalt  }
0x58: {  	_ =	shalt  }
0x59: {  	_ =	shalt  }
0x5a: {  	_ =	shalt  }
0x5b: {  	_ =	shalt  }
0x5c: {  	_ =	shalt  }
0x5d: {  	_ =	shalt  }
0x5e: {  	_ =	shalt  }
0x5f: {  	_ =	shalt  }
0x60: {  	_ =	shalt  }
0x61: {  	_ =	shalt  }
0x62: {  	_ =	shalt  }
0x63: {  	_ =	shalt  }
0x64: {  	_ =	shalt  }
0x65: {  	_ =	shalt  }
0x66: {  	_ =	shalt  }
0x67: {  	_ =	shalt  }
0x68: {  	_ =	shalt  }
0x69: {  	_ =	shalt  }
0x6a: {  	_ =	shalt  }
0x6b: {  	_ =	shalt  }
0x6c: {  	_ =	shalt  }
0x6d: {  	_ =	shalt  }
0x6e: {  	_ =	shalt  }
0x6f: {  	_ =	shalt  }
0x70: {  	_ =	shalt  }
0x71: {  	_ =	shalt  }
0x72: {  	_ =	shalt  }
0x73: {  	_ =	shalt  }
0x74: {  	_ =	shalt  }
0x75: {  	_ =	shalt  }
0x76: {  	_ =	shalt  }
0x77: {  	_ =	shalt  }
0x78: {  	_ =	shalt  }
0x79: {  	_ =	shalt  }
0x7a: {  	_ =	shalt  }
0x7b: {  	_ =	shalt  }
0x7c: {  	_ =	shalt  }
0x7d: {  	_ =	shalt  }
0x7e: {  	_ =	shalt  }
0x7f: {  	_ =	shalt  }
0x80: {  	_ =	shalt  }
0x81: {  	_ =	shalt  }
0x82: {  	_ =	shalt  }
0x83: {  	_ =	shalt  }
0x84: {  	_ =	shalt  }
0x85: {  	_ =	shalt  }
0x86: {  	_ =	shalt  }
0x87: {  	_ =	shalt  }
.Lfunc_end0:
.L_simem_size_0:
called_computation_lowered:
.L_overlay_start_0:
0x88: {  	s2 =	sld [smem:$0x3FD9]  }
0x89: {  	s3 =	sld [smem:$0x3FFE];
	_ =	sdelay $0x1  }
0x8a: {  	s1 =	srdreg.scid  }
0x8b: {  	s0 =	sand.u32 $0x1, s1  }
0x8c: {  	s17 =	sshll.u32 s0, $0xA;
	s2 =	sadd.s32 s3, s2  }
0x8d: {  	s2 =	sadd.s32 s2, s17  }
0x8e: {  	[smem:$0x3FC4] =	sst s2  }
0x8f: {  	_ = 	snop  }
0x90: {  	s2 =	sld [smem:$0x3FD0];
	(tm) =	ssettm $0x1  }
0x91: {  	s18 =	sld [smem:$0x3FFB];
	_ =	sdelay $0x3  }
0x92: {  	_ =	strace s18  }
0x93: {  	s3 =	sld [smem:$0x3FFC];
	_ =	sdelay $0x3  }
0x94: {  	_ =	strace s3  }
0x95: {  	s3 =	sld [smem:$0x3FFD];
	_ =	sdelay $0x3  }
0x96: {  	_ =	strace s3  }
0x97: {  	_ =	strace $0x8FFFFFFF  }
0x98: {  	s19 =	sld [smem:$0x3FDB];
	_ =	sdelay $0x1  }
0x99: {  	s4 =	simm.s32 $_scs_section_size  }
0x9a: {  	s5 =	simm.s32 $_size__tile_overlayer_lowered;
	s6 =	simm.s32 $_tile_overlayer_lowered  }
0x9b: {  	s22 =	simm.s32 $0x1BFF;
	s21 =	sshll.u32 s6, $0x1;
	s3 =	sadd.s32 s4, s19  }
0x9c: {  	s7 =	simm.s32 $0x0;
	s20 =	sshll.u32 s5, $0x1;
	s5 =	sadd.s32 s21, s3  }
0x9d: {  	[timem:s7], [sflag:s22] =	dma.local [hbm:s5], s20  }
0x9e: {  	_ =	swait.ge [sflag:s22], s20  }
0x9f: {  	s4 =	ssub.s32 $0x0, s20;
	[sflag:s22] =	ssyncset.done $0x0  }
0xa0: {  	[sflag:s22] =	ssyncadd.s32 s4;
	_ =	sdelay $0x1  }
0xa1: {  	s23 =	simm.s32 $0x1B8B  }
0xa2: {  	_ =	swait.ge [sflag:s23], $0x1  }
0xa3: {  	[sflag:s23] =	ssyncset.done $0x0  }
0xa4: {  	s25 =	simm.s32 $0x1B8E;
	s24 =	sld [smem:$0x3FFE];
	[sflag:s23] =	ssyncadd.s32 $0xFFFFFFFF  }
0xa5: {  	s26 =	simm.s32 $execute0_lowered;
	[smem:$0x3FD2] =	sst s25  }
0xa6: {  	s5 =	sshll.u32 s26, $0x1;
	_ =	strace $0x80000046;
	[dreg:$0x1] =	wrdreg $0xFFFFFFFF  }
0xa7: {  	s28 =	simm.s32 $_size_execute0_lowered;
	s3 =	sadd.s32 s3, s5;
	[dreg:$0x0] =	wrdreg $0x0  }
0xa8: {  	s5 =	sshll.u32 s28, $0x1;
	[dreg:$0x2] =	wrdreg s3  }
0xa9: {  	[dreg:$0x3] =	wrdreg s5  }
0xaa: {  	[dreg:$0x4] =	wrdreg $0xC0  }
0xab: {  	_ =	task [dreg:s7], $0x5FFFF  }
0xac: {  	[dreg:$0x1] =	wrdreg $0xFFFFFFFF  }
0xad: {  	[dreg:$0x0] =	wrdreg $0x60  }
0xae: {  	[dreg:$0x2] =	wrdreg s24  }
0xaf: {  	[dreg:$0x3] =	wrdreg s2  }
0xb0: {  	[dreg:$0x4] =	wrdreg $0x9  }
0xb1: {  	_ =	task.clear_ibuf [dreg:s7], $0x5FFFF;
	_ =	strace $0x90000046  }
0xb2: {  	s29 =	simm.s32 $0x9;
	_ =	strace $0x80000048  }
0xb3: {  	_ =	swait.ge [sflag:s29], $0x1  }
0xb4: {  	[sflag:s29] =	ssyncadd.s32 $0xFFFFFFFF  }
0xb5: {  	_ =	strace $0x90000048  }
0xb6: {  	_ =	sfence  }
0xb7: {  	s30 =	sld [smem:$0x0];
	_ =	sdelay $0x2  }
0xb8: {  	s31 =	sshll.u32 s1, $0xD;
	s1 =	sshrl.u32 s1, $0x2  }
0xb9: {  	s3 =	sand.u32 $0x4000, s31;
	s1 =	sadd.s32 s1, s30  }
0xba: {  	s0 =	sor.u32 s3, s0;
	s1 =	sshll.u32 s1, $0x11  }
0xbb: {  	s0 =	sor.u32 s1, s0  }
0xbc: {  	s0 =	sadd.s32 $0x8F2B, s0  }
0xbd: {  	[sflag:s0] =	ssyncadd.remote.s32 $0x1  }
0xbe: {  	_ =	sfence.sel $0xFFFF  }
0xbf: {  	[dreg:$0x0] =	wrdreg $0xFFFFFFFF;
	(pc) =	sbr.abs _section_cstart, $3  }
0xc0: {  	[dreg:$0x1] =	wrdreg $0xFFFFFFFF  }
0xc1: {  	_ =	task.clear_ibuf [dreg:s7], $0x2FFFF;
	_ =	strace $0x9FFFFFFF  }
0xc2: {  	(tm) =	ssettm $0x7FFFFFFF  }
0xc3: {  	_ =	shalt  }
tec
execute0_lowered:
.L_overlay_start_1:
0x0: {  	(tag) =	ssettag $0x1  }
0x1: {  	s0 =	rddreg [dreg:$0x0];
	s9 =	simm.s32 $0x0;
	s1 =	srdreg.scid  }
0x2: {  	s2 =	stileid.u32;
	s13 =	simm.s32 $0x2;
	s15 =	simm.s32 $0x60  }
0x3: {  	s16 =	simm.s32 $0x860;
	s17 =	simm.s32 $0x1060;
	s18 =	simm.s32 $0x80  }
0x4: {  	s19 =	simm.s32 $0x1860;
	s10 =	simm.s32 $0xCE0;
	s11 =	simm.s32 $0x3C60  }
0x5: {  	s12 =	simm.s32 $0xD60;
	s20 =	simm.s32 $0x4460;
	s21 =	simm.s32 $0xE60  }
0x6: {  	s22 =	simm.s32 $0x4860;
	s28 =	simm.s32 $0xFE0;
	s29 =	simm.s32 $0x5460  }
0x7: {  	s30 =	simm.s32 $0x1;
	s31 =	simm.s32 $0x5860;
	[smem:$0x7FF] =	sst s9  }
0x8: {  	s4 =	sadd.s32 $0x1000, s0;
	s1 =	sand.u32 $0x1, s1;
	s2 =	sshll.u32 s2, $0x1  }
0x9: {  	s5 =	sadd.s32 $0xF5600, s0;
	s6 =	sadd.s32 $0x7B400, s0;
	s8 =	sadd.s32 $0x84F400, s0  }
0xa: {  	s3 =	sadd.s32 $0x7B200, s0;
	_ =	strace $0x80000047;
	s7 =	sor.u32 s1, s2  }
0xb: {  	s1 =	ssub.s32 $0x2, s1;
	[dreg:$0x4] =	wrdreg s3;
	s3 =	simm.s32 $0xDE0  }
0xc: {  	s2 =	sshll.u32 s7, $0xC;
	s23 =	sshrl.u32 s1, $0x1;
	[dreg:$0x3] =	wrdreg s7  }
0xd: {  	v5 =	vlaneseq.u32;
	s24 =	sor.u32 $0x20, s7;
	s7 =	simm.s32 $0x4060;
	s0 =	sadd.s32 s2, s0  }
0xe: {  	vm0 =	vcmask $0x3720;
	v1 =	vshrl.u32 v5, $0x3;
	s1 =	ssub.s32 s1, s23;
	s26 =	sadd.s32 $0x1000, s2;
	[dreg:$0x5] =	wrdreg s24  }
0xf: {  	vm1 =	vcmask $0x1700;
	v3 =	vimm.f32 $0.0e+00;
	v6 =	vmul.u32 $0x8, v1;
	s23 =	simm.s32 $0xEE0;
	s24 =	simm.s32 $0x4C60;
	s0 =	sadd.s32 $0x16F800, s0  }
0x10: {  	vm0 =	vmor vm1, vm0;
	v5 =	vand.u32 $0x7, v5;
	s25 =	smax.u32 s1, $0x1;
	v2 =	vmov s26;
	s26 =	simm.s32 $0x5060;
	[dreg:$0x6] =	wrdreg s0  }
0x11: {  	v4 =	vmul.u32 $0x8000, v1;
	v0 =	vmov s2;
	v6 =	vor.u32 $0x5, v6;
	s1 =	simm.s32 $0x0;
	[dreg:$0x7] =	wrdreg s25;
	s25 =	simm.s32 $0xF60  }
.LBB2_1:
0x12: {  	[dreg:$0x8] =	wrdreg s1;
	s0 =	simm.s32 $0x40;
	s1 =	simm.s32 $0x0  }
.LBB2_2:
0x13: {  	p0 =	sne.s32 s0, $0x3FFC0;
	[tilespmem:s1+$0x5860] =	vst v3;
	s1 =	smov.u32 s0;
	s0 =	sadd.s32 $0x40, s0  }
.Ltmp0:
0x14: {  	(pc) =	sbr.rel @p0 .LBB2_2-.Ltmp0, $2  }
0x15: {  	_ =	sdelay $0x2  }
0x16: {  	s1 =	sshra.s32 s1, $0x2  }
0x17: {  	[tilespmem:s1+$0x5860] =	vst v3;
	s0 =	rddreg [dreg:$0x4]  }
0x18: {  	[tilespmem:s9], [sflag:$0x2] =	stream.linear.gather [hbm4b:s0+s9], $0x20, $0x38;
	[tilespmem:$0x15860] =	vst v63  }
0x19: {  	_ =	swait.ge [sflag:s13], $0x20  }
0x1a: {  	[sflag:s13] =	ssyncset.done $0x0  }
0x1b: {  	[sflag:s13] =	ssyncadd.s32 $0xFFFFFFE0  }
0x1c: {  	s2 =	simm.s32 $0x20;
	s1 =	rddreg [dreg:$0x1]  }
0x1d: {  	[tilespmem:s2], [sflag:$0x2] =	stream.linear.gather [hbm4b:s1+s9], $0x20, $0x38;
	[tilespmem:$0x15860] =	vst v63  }
0x1e: {  	_ =	swait.ge [sflag:s13], $0x20  }
0x1f: {  	[sflag:s13] =	ssyncset.done $0x0  }
0x20: {  	s9 =	rddreg [dreg:$0x3];
	[sflag:s13] =	ssyncadd.s32 $0xFFFFFFE0  }
0x21: {  	s14 =	rddreg [dreg:$0x5];
	v7 =	vld [tilespmem:s9+$0x0]  }
0x22: {  	v8 =	vld [tilespmem:s14+$0x0];
	_ =	sdelay $0x3  }
0x23: {  	(v2sf) =	vpush v7, $0x0  }
0x24: {  	(v2sf) =	vpush v8, $0x0;
	_ =	sdelay $0xd  }
0x25: {  	s0 =	spop (v2sf)  }
0x26: {  	s2 =	spop (v2sf)  }
0x27: {  	p0 =	sge.s32 s0, s2  }
.Ltmp1:
0x28: {  	_ = 	snop;
	(pc) =	sbr.rel @p0 .LBB2_7-.Ltmp1, $1  }
0x29: {  	_ =	sdelay $0x3  }
.LBB2_4:
0x2a: {  	s1 =	sshll.u32 s0, $0x8  }
0x2b: {  	s14 =	sand.u32 $0x1FFFFF00, s1  }
0x2c: {  	s1 =	simm.s32 $0x0;
	s9 =	sadd.s32 s4, s14  }
0x2d: {  	[tilespmem:s15], [sflag:$0x2] =	stream.linear.gather [hbm4b:s9+s1], $0x800, $0x38;
	[tilespmem:$0x15860] =	vst v63  }
0x2e: {  	_ =	swait.ge [sflag:s13], $0x800  }
0x2f: {  	[sflag:s13] =	ssyncset.done $0x0  }
0x30: {  	s9 =	sadd.s32 s5, s14;
	[sflag:s13] =	ssyncadd.s32 $0xFFFFF800  }
0x31: {  	[tilespmem:s16], [sflag:$0x2] =	stream.linear.gather [hbm4b:s9+s1], $0x800, $0x38;
	[tilespmem:$0x15860] =	vst v63  }
0x32: {  	_ =	swait.ge [sflag:s13], $0x800  }
0x33: {  	[sflag:s13] =	ssyncset.done $0x0  }
0x34: {  	s14 =	sadd.s32 s6, s14;
	[sflag:s13] =	ssyncadd.s32 $0xFFFFF800  }
0x35: {  	[tilespmem:s17], [sflag:$0x2] =	stream.linear.gather [hbm4b:s14+s1], $0x800, $0x38;
	[tilespmem:$0x15860] =	vst v63  }
0x36: {  	_ =	swait.ge [sflag:s13], $0x800  }
0x37: {  	[sflag:s13] =	ssyncset.done $0x0  }
0x38: {  	[sflag:s13] =	ssyncadd.s32 $0xFFFFF800  }
0x39: {  	[tilespmem:s19], [sflag:$0x1] =	stream.indirect.gather [hbm4b:s8+s18], $0x8, s16, s18, $0xb8;
	[tilespmem:$0x15860] =	vst v63  }
0x3a: {  	s9 =	simm.s32 $0x8E0;
	s14 =	simm.s32 $0x1C60  }
0x3b: {  	[tilespmem:s14], [sflag:$0x1] =	stream.indirect.gather [hbm4b:s8+s18], $0x8, s9, s18, $0xb8;
	[tilespmem:$0x15860] =	vst v63  }
0x3c: {  	s9 =	simm.s32 $0x960;
	s14 =	simm.s32 $0x2060  }
0x3d: {  	[tilespmem:s14], [sflag:$0x1] =	stream.indirect.gather [hbm4b:s8+s18], $0x8, s9, s18, $0xb8;
	[tilespmem:$0x15860] =	vst v63  }
0x3e: {  	s9 =	simm.s32 $0x9E0;
	s14 =	simm.s32 $0x2460  }
0x3f: {  	[tilespmem:s14], [sflag:$0x1] =	stream.indirect.gather [hbm4b:s8+s18], $0x8, s9, s18, $0xb8;
	[tilespmem:$0x15860] =	vst v63  }
0x40: {  	s9 =	simm.s32 $0xA60;
	s14 =	simm.s32 $0x2860  }
0x41: {  	[tilespmem:s14], [sflag:$0x1] =	stream.indirect.gather [hbm4b:s8+s18], $0x8, s9, s18, $0xb8;
	[tilespmem:$0x15860] =	vst v63  }
0x42: {  	s9 =	simm.s32 $0xAE0;
	s14 =	simm.s32 $0x2C60  }
0x43: {  	[tilespmem:s14], [sflag:$0x1] =	stream.indirect.gather [hbm4b:s8+s18], $0x8, s9, s18, $0xb8;
	[tilespmem:$0x15860] =	vst v63  }
0x44: {  	s9 =	simm.s32 $0xB60;
	s14 =	simm.s32 $0x3060  }
0x45: {  	[tilespmem:s14], [sflag:$0x1] =	stream.indirect.gather [hbm4b:s8+s18], $0x8, s9, s18, $0xb8;
	[tilespmem:$0x15860] =	vst v63  }
0x46: {  	s9 =	simm.s32 $0xBE0;
	s14 =	simm.s32 $0x3460  }
0x47: {  	[tilespmem:s14], [sflag:$0x1] =	stream.indirect.gather [hbm4b:s8+s18], $0x8, s9, s18, $0xb8;
	[tilespmem:$0x15860] =	vst v63  }
0x48: {  	s9 =	simm.s32 $0xC60;
	s14 =	simm.s32 $0x3860  }
0x49: {  	[tilespmem:s14], [sflag:$0x1] =	stream.indirect.gather [hbm4b:s8+s18], $0x8, s9, s18, $0xb8;
	[tilespmem:$0x15860] =	vst v63  }
0x4a: {  	_ = 	snop  }
0x4b: {  	[tilespmem:s11], [sflag:$0x1] =	stream.indirect.gather [hbm4b:s8+s18], $0x8, s10, s18, $0xb8;
	[tilespmem:$0x15860] =	vst v63  }
0x4c: {  	_ = 	snop  }
0x4d: {  	[tilespmem:s7], [sflag:$0x1] =	stream.indirect.gather [hbm4b:s8+s18], $0x8, s12, s18, $0xb8;
	[tilespmem:$0x15860] =	vst v63  }
0x4e: {  	_ = 	snop  }
0x4f: {  	[tilespmem:s20], [sflag:$0x1] =	stream.indirect.gather [hbm4b:s8+s18], $0x8, s3, s18, $0xb8;
	[tilespmem:$0x15860] =	vst v63  }
0x50: {  	_ = 	snop  }
0x51: {  	[tilespmem:s22], [sflag:$0x1] =	stream.indirect.gather [hbm4b:s8+s18], $0x8, s21, s18, $0xb8;
	[tilespmem:$0x15860] =	vst v63  }
0x52: {  	_ = 	snop  }
0x53: {  	[tilespmem:s24], [sflag:$0x1] =	stream.indirect.gather [hbm4b:s8+s18], $0x8, s23, s18, $0xb8;
	[tilespmem:$0x15860] =	vst v63  }
0x54: {  	_ = 	snop  }
0x55: {  	[tilespmem:s26], [sflag:$0x1] =	stream.indirect.gather [hbm4b:s8+s18], $0x8, s25, s18, $0xb8;
	[tilespmem:$0x15860] =	vst v63  }
0x56: {  	_ = 	snop  }
0x57: {  	[tilespmem:s29], [sflag:$0x1] =	stream.indirect.gather [hbm4b:s8+s18], $0x8, s28, s18, $0xb8;
	[tilespmem:$0x15860] =	vst v63  }
0x58: {  	_ =	swait.ge [sflag:s30], $0x400  }
0x59: {  	[sflag:s30] =	ssyncset.done $0x0  }
0x5a: {  	[sflag:s30] =	ssyncadd.s32 $0xFFFFFC00  }
0x5b: {  	_ =	swait.ge [sflag:s30], $0x400  }
0x5c: {  	[sflag:s30] =	ssyncset.done $0x0  }
0x5d: {  	[sflag:s30] =	ssyncadd.s32 $0xFFFFFC00  }
0x5e: {  	_ =	swait.ge [sflag:s30], $0x400  }
0x5f: {  	[sflag:s30] =	ssyncset.done $0x0  }
0x60: {  	[sflag:s30] =	ssyncadd.s32 $0xFFFFFC00  }
0x61: {  	_ =	swait.ge [sflag:s30], $0x400  }
0x62: {  	[sflag:s30] =	ssyncset.done $0x0  }
0x63: {  	[sflag:s30] =	ssyncadd.s32 $0xFFFFFC00  }
0x64: {  	_ =	swait.ge [sflag:s30], $0x400  }
0x65: {  	[sflag:s30] =	ssyncset.done $0x0  }
0x66: {  	[sflag:s30] =	ssyncadd.s32 $0xFFFFFC00  }
0x67: {  	_ =	swait.ge [sflag:s30], $0x400  }
0x68: {  	[sflag:s30] =	ssyncset.done $0x0  }
0x69: {  	[sflag:s30] =	ssyncadd.s32 $0xFFFFFC00  }
0x6a: {  	_ =	swait.ge [sflag:s30], $0x400  }
0x6b: {  	[sflag:s30] =	ssyncset.done $0x0  }
0x6c: {  	[sflag:s30] =	ssyncadd.s32 $0xFFFFFC00  }
0x6d: {  	_ =	swait.ge [sflag:s30], $0x400  }
0x6e: {  	[sflag:s30] =	ssyncset.done $0x0  }
0x6f: {  	[sflag:s30] =	ssyncadd.s32 $0xFFFFFC00  }
0x70: {  	_ =	swait.ge [sflag:s30], $0x400  }
0x71: {  	[sflag:s30] =	ssyncset.done $0x0  }
0x72: {  	[sflag:s30] =	ssyncadd.s32 $0xFFFFFC00  }
0x73: {  	_ =	swait.ge [sflag:s30], $0x400  }
0x74: {  	[sflag:s30] =	ssyncset.done $0x0  }
0x75: {  	[sflag:s30] =	ssyncadd.s32 $0xFFFFFC00  }
0x76: {  	_ =	swait.ge [sflag:s30], $0x400  }
0x77: {  	[sflag:s30] =	ssyncset.done $0x0  }
0x78: {  	[sflag:s30] =	ssyncadd.s32 $0xFFFFFC00  }
0x79: {  	_ =	swait.ge [sflag:s30], $0x400  }
0x7a: {  	[sflag:s30] =	ssyncset.done $0x0  }
0x7b: {  	[sflag:s30] =	ssyncadd.s32 $0xFFFFFC00  }
0x7c: {  	_ =	swait.ge [sflag:s30], $0x400  }
0x7d: {  	[sflag:s30] =	ssyncset.done $0x0  }
0x7e: {  	[sflag:s30] =	ssyncadd.s32 $0xFFFFFC00  }
0x7f: {  	_ =	swait.ge [sflag:s30], $0x400  }
0x80: {  	[sflag:s30] =	ssyncset.done $0x0  }
0x81: {  	[sflag:s30] =	ssyncadd.s32 $0xFFFFFC00  }
0x82: {  	_ =	swait.ge [sflag:s30], $0x400  }
0x83: {  	v7 =	vor.u32 s1, v1;
	[sflag:s30] =	ssyncset.done $0x0  }
0x84: {  	[sflag:s30] =	ssyncadd.s32 $0xFFFFFC00  }
0x85: {  	_ =	swait.ge [sflag:s30], $0x400  }
0x86: {  	[sflag:s30] =	ssyncset.done $0x0  }
0x87: {  	[sflag:s30] =	ssyncadd.s32 $0xFFFFFC00  }
0x88: {  	v9 =	vshll.u32 v7, $0x3;
	v8 =	vld.idx.msk [tilespmem:v7+s15+$0x0], $0xffff  }
0x89: {  	v9 =	vor.u32 v5, v9;
	_ =	sdelay $0x3  }
0x8a: {  	v7 =	vld.idx.msk [tilespmem:v7+s17+$0x0], $0xffff;
	v10 =	vsub.s32 v8, v0;
	vm1 =	vge.s32 v8, v0;
	vm2 =	vlt.s32 v8, v2  }
0x8b: {  	v9 =	vld.idx.msk [tilespmem:v9+s19+$0x0], $0xffff;
	v8 =	vshll.u32 v10, $0x3;
	vm1 =	vmand vm1, vm2  }
0x8c: {  	v8 =	vadd.s32 v4, v8;
	vm1 =	vmand vm1, vm0  }
0x8d: {  	s14 =	simm.s32 $0x2;
	v10 =	vor.u32 v5, v8  }
0x8e: {  	s1 =	simm.s32 $0x4;
	v8 =	vor.u32 s14, v1  }
.LBB2_5:
0x8f: {  	p0 =	sne.s32 s1, $0x7FE  }
0x90: {  	v7 =	vmul.f32 v9, v7;
	_ =	sdelay $0x1  }
0x91: {  	[tilespmem:v10+s31+$0x0] =	vst.idx.add.f32.msk vm1, v7  }
0x92: {  	v7 =	vshll.u32 v8, $0x3;
	v10 =	vld.idx.msk [tilespmem:v8+s15+$0x0], $0xffff  }
0x93: {  	v9 =	vor.u32 v5, v7;
	_ =	sdelay $0x3  }
0x94: {  	v7 =	vld.idx.msk [tilespmem:v8+s17+$0x0], $0xffff  }
.Ltmp2:
0x95: {  	vm1 =	vge.s32 v10, v0;
	vm2 =	vlt.s32 v10, v2;
	v8 =	vsub.s32 v10, v0;
	v9 =	vld.idx.msk [tilespmem:v9+s19+$0x0], $0xffff;
	(pc) =	sbr.rel @p0 .LBB2_5-.Ltmp2, $4  }
0x96: {  	vm1 =	vmand vm1, vm2;
	v8 =	vshll.u32 v8, $0x3  }
0x97: {  	vm1 =	vmand vm1, vm0;
	v8 =	vadd.s32 v4, v8  }
0x98: {  	v10 =	vor.u32 v5, v8  }
0x99: {  	v8 =	vor.u32 s1, v1;
	s1 =	sadd.s32 $0x2, s1  }
0x9a: {  	_ =	sdelay $0x2  }
0x9b: {  	v7 =	vmul.f32 v9, v7;
	_ =	sdelay $0x1  }
0x9c: {  	[tilespmem:v10+s31+$0x0] =	vst.idx.add.f32.msk vm1, v7  }
0x9d: {  	v63 =	vshll.u32 v8, $0x3;
	v7 =	vld.idx.msk [tilespmem:v8+s15+$0x0], $0xffff  }
0x9e: {  	v9 =	vor.u32 v5, v63;
	_ =	sdelay $0x3  }
0x9f: {  	v8 =	vld.idx.msk [tilespmem:v8+s17+$0x0], $0xffff;
	vm1 =	vge.s32 v7, v0;
	vm2 =	vlt.s32 v7, v2;
	v7 =	vsub.s32 v7, v0  }
0xa0: {  	v9 =	vld.idx.msk [tilespmem:v9+s19+$0x0], $0xffff;
	vm1 =	vmand vm1, vm2;
	v7 =	vshll.u32 v7, $0x3  }
0xa1: {  	s0 =	sadd.s32 $0x1, s0;
	vm1 =	vmand vm1, vm0;
	v7 =	vadd.s32 v4, v7  }
0xa2: {  	p0 =	sne.s32 s0, s2;
	v7 =	vor.u32 v5, v7  }
.Ltmp3:
0xa3: {  	_ = 	snop;
	(pc) =	sbr.rel @p0 .LBB2_4-.Ltmp3, $3  }
0xa4: {  	_ = 	snop  }
0xa5: {  	v8 =	vmul.f32 v9, v8;
	_ =	sdelay $0x1  }
0xa6: {  	[tilespmem:v7+s31+$0x0] =	vst.idx.add.f32.msk vm1, v8  }
.LBB2_7:
0xa7: {  	s0 =	simm.s32 $0x0  }
0xa8: {  	s1 =	simm.s32 $0x0;
	s2 =	simm.s32 $0x40;
	v7 =	vld [tilespmem:s0+$0xD860]  }
.LBB2_8:
0xa9: {  	p0 =	sne.s32 s2, $0x1FFC0;
	v8 =	vld [tilespmem:s0+$0x5860];
	_ =	sdelay $0x2  }
.Ltmp4:
0xaa: {  	(pc) =	sbr.rel @p0 .LBB2_8-.Ltmp4, $4  }
0xab: {  	_ = 	snop  }
0xac: {  	v8 =	vadd.f32 v7, v8  }
0xad: {  	s9 =	sshra.s32 s2, $0x2  }
0xae: {  	s2 =	sadd.s32 $0x40, s2;
	v7 =	vld [tilespmem:s9+$0xD860];
	[tilespmem:s0+$0x5860] =	vst v8;
	s0 =	smov.u32 s9  }
0xaf: {  	v8 =	vld [tilespmem:s0+$0x5860];
	_ =	sdelay $0x2  }
0xb0: {  	v9 =	vor.u32 s1, v6;
	_ =	sdelay $0x1  }
0xb1: {  	v7 =	vadd.f32 v7, v8;
	_ =	sdelay $0x1  }
0xb2: {  	[tilespmem:s0+$0x5860] =	vst v7  }
0xb3: {  	v7 =	vld.idx.msk [tilespmem:v9+s31+$0x0], $0xffff;
	_ =	sdelay $0x4  }
0xb4: {  	(erf) = vrcp.f32 v7;
	_ =	sdelay $0x3  }
0xb5: {  	s0 =	simm.s32 $0x5860  }
0xb6: {  	v8 =	vld [tilespmem:s0+$0x0];
	_ =	sdelay $0x1  }
0xb7: {  	s14 =	simm.s32 $0x10  }
0xb8: {  	s1 =	simm.s32 $0x20;
	s9 =	simm.s32 $0x0;
	v7 =	vor.u32 s14, v6  }
.LBB2_10:
0xb9: {  	p0 =	sne.s32 s1, $0x7FF0;
	v9 =	vpop (erf)  }
0xba: {  	v8 =	vmul.f32 v9, v8;
	_ =	sdelay $0x1  }
0xbb: {  	[tilespmem:s0+$0x0] =	vst v8  }
0xbc: {  	v7 =	vld.idx.msk [tilespmem:v7+s31+$0x0], $0xffff;
	_ =	sdelay $0x5  }
0xbd: {  	(erf) = vrcp.f32 v7;
	_ =	sdelay $0x3  }
.Ltmp5:
0xbe: {  	s0 =	sadd.s32 $0x10, s0;
	(pc) =	sbr.rel @p0 .LBB2_10-.Ltmp5, $2  }
0xbf: {  	v8 =	vld [tilespmem:s0+$0x0];
	_ =	sdelay $0x2  }
0xc0: {  	v7 =	vor.u32 s1, v6;
	s1 =	sadd.s32 $0x10, s1  }
0xc1: {  	v9 =	vpop (erf)  }
0xc2: {  	v8 =	vmul.f32 v9, v8;
	_ =	sdelay $0x1  }
0xc3: {  	[tilespmem:s0+$0x0] =	vst v8  }
0xc4: {  	v7 =	vld.idx.msk [tilespmem:v7+s31+$0x0], $0xffff;
	_ =	sdelay $0x4  }
0xc5: {  	(erf) = vrcp.f32 v7;
	_ =	sdelay $0x3  }
0xc6: {  	s1 =	sadd.s32 $0x10, s0  }
0xc7: {  	v7 =	vld [tilespmem:s1+$0x0];
	_ =	sdelay $0x3  }
0xc8: {  	v8 =	vpop (erf)  }
0xc9: {  	v7 =	vmul.f32 v8, v7;
	_ =	sdelay $0x1  }
0xca: {  	s2 =	rddreg [dreg:$0x6];
	[tilespmem:s1+$0x0] =	vst v7  }
0xcb: {  	[hbm4b:s2+s9] =	stream.linear.scatter [tilespmem:s31], [sflag:$0x2], $0x8000, $0x38;
	[tilespmem:$0x15860] =	vst v63  }
0xcc: {  	_ =	swait.ge [sflag:s13], $0x8000  }
0xcd: {  	s1 =	rddreg [dreg:$0x8]  }
0xce: {  	s14 =	rddreg [dreg:$0x7];
	s1 =	sadd.s32 $0x1, s1  }
0xcf: {  	p0 =	sne.s32 s1, s14  }
.Ltmp6:
0xd0: {  	_ = 	snop;
	(pc) =	sbr.rel @p0 .LBB2_1-.Ltmp6, $3  }
0xd1: {  	_ =	sdelay $0x1  }
0xd2: {  	[sflag:s13] =	ssyncset.done $0x0  }
0xd3: {  	[sflag:s13] =	ssyncadd.s32 $0xFFFF8000  }
0xd4: {  	_ =	sfence.sel $0x180000  }
0xd5: {  	[bflag:$0x0] =	sbarrier.arrive $0xFFFF  }
0xd6: {  	_ =	strace $0x90000047  }
0xd7: {  	s0 =	stileid.u32;
	[bflag:$0x2] =	sbarrier.arrive $0xFFFF  }
0xd8: {  	p0 =	sne.s32 s0, $0x0;
	s0 =	rddreg [dreg:$0x2]  }
0xd9: {  	s0 =	sadd.s32 @!p0 $0x100000, s0  }
0xda: {  	[sflag:s0] =	ssyncadd.tile.s32 @!p0 $0x1;
	_ =	shalt  }
.Lfunc_end2:
_tile_overlayer_lowered:
.L_overlay_start_2:
0xdb: {  	(tag) =	ssettag $0x2  }
0xdc: {  	s0 =	rddreg [dreg:$0x0];
	s2 =	stileid.u32  }
0xdd: {  	s1 =	rddreg [dreg:$0x1];
	p0 =	sne.s32 s2, $0x0  }
0xde: {  	s3 =	rddreg [dreg:$0x2];
	[bflag:$0x3] =	sbarrier.arrive $0xFFFF;
	s2 =	simm.s32 @!p0 $0x1C02  }
0xdf: {  	[timem:s3], [sflag:s2] =	dma.local @!p0 [hbm:s0], s1  }
0xe0: {  	s0 =	simm.s32 @!p0 $0x2  }
0xe1: {  	_ =	swait.ge @!p0 [sflag:s0], s1  }
0xe2: {  	s1 =	ssub.s32 @!p0 $0x0, s1;
	[sflag:s0] =	ssyncset.done @!p0 $0x0  }
0xe3: {  	[sflag:s0] =	ssyncadd.s32 @!p0 s1  }
0xe4: {  	[bflag:$0x3] =	sbarrier.arrive $0xFFFF  }
0xe5: {  	_ =	shalt  }

</sc_bundles>
